<compile_context>
chip_gen: v7x
topology: tpu7x:2x2x1
jax: 0.10.2.dev20260603
libtpu: 0.0.44.dev20260713+nightly
codegen_flags: <defaults>
</compile_context>

<pallas_src>
import functools

import jax
import jax.numpy as jnp
from jax import lax
from jax.experimental import pallas as pl
from jax.experimental.pallas import tpu as pltpu
from jax.experimental.pallas import tpu_sc as plsc

PAD_INDEX = 0
BATCH, SEQ = 4096, 200
NUM_EMB, DIM = 256, 128
NC, NS, L = 2, 16, 16
NW = NC * NS
RPW = BATCH // NW
KWIN = 12


def _mask(x):
    return lax.shift_right_logical(x | (0 - x), 31).astype(jnp.int32)


def _row_total(inp_v, r):
    t = jnp.int32(0)
    for j in range(12):
        t = t + jnp.sum(_mask(inp_v[r, pl.ds(j * L, L)]))
    m = _mask(inp_v[r, pl.ds(184, L)])
    lane = lax.iota(jnp.int32, L)
    last8 = lax.shift_right_logical(7 - lane, 31).astype(jnp.int32)
    return t + jnp.sum(m * last8)


def _pos_chunks(inp_v, r, pos_v):
    carry = jnp.int32(0)
    for j in range(11):
        x = inp_v[r, pl.ds(j * L, L)]
        m = _mask(x)
        c = plsc.cumsum(m) + carry
        pos_v[j // 8, pl.ds((j % 8) * L, L)] = c * m
        carry = carry + jnp.sum(m)
    x = inp_v[r, pl.ds(176, L)]
    m = _mask(x)
    c = plsc.cumsum(m) + carry
    pos_v[1, pl.ds(48, L)] = c * m
    lane = lax.iota(jnp.int32, L)
    first8 = lax.shift_right_logical(lane - 8, 31).astype(jnp.int32)
    carry_t = carry + jnp.sum(m * first8)
    x = inp_v[r, pl.ds(184, L)]
    m = _mask(x)
    c = plsc.cumsum(m) + carry_t
    pos_v[1, pl.ds(56, L)] = c * m


def kernel(input, table):
    mesh = plsc.VectorSubcoreMesh(core_axis_name="c", subcore_axis_name="s")

    @functools.partial(
        pl.kernel,
        out_type=jax.ShapeDtypeStruct((BATCH, SEQ, DIM), jnp.float32),
        mesh=mesh,
        compiler_params=pltpu.CompilerParams(needs_layout_passes=False),
        scratch_types=[
            pltpu.VMEM_SHARED((NUM_EMB, DIM), jnp.float32),
            pltpu.VMEM((RPW, SEQ), jnp.int32),
            pltpu.VMEM((SEQ, DIM), jnp.float32),
            pltpu.VMEM((2, 128), jnp.int32),
            pltpu.VMEM((SEQ, DIM), jnp.float32),
            pltpu.SemaphoreType.DMA,
            pltpu.SemaphoreType.DMA,
            pltpu.SemaphoreType.DMA,
        ],
    )
    def run(inp_hbm, tbl_hbm, out_hbm, tbl_s, inp_v, tbl_fast, pos_v, rows_v,
            sf, sg, ss):
        sid = lax.axis_index("s")
        wid = sid * NC + lax.axis_index("c")
        base = wid * RPW

        @pl.when(sid == 0)
        def _stage_table():
            pltpu.sync_copy(tbl_hbm, tbl_s)

        pltpu.sync_copy(inp_hbm.at[pl.ds(base, RPW)], inp_v)
        plsc.subcore_barrier()

        def gather_start(pos_ref, rows_ref, sem):
            pltpu.async_copy(
                tbl_s.at[pos_ref.at[0]], rows_ref.at[pl.ds(0, 128)], sem)
            pltpu.async_copy(
                tbl_s.at[pos_ref.at[1, pl.ds(0, 72)]],
                rows_ref.at[pl.ds(128, 72)], sem)

        def gather_wait(pos_ref, rows_ref, sem):
            pltpu.make_async_copy(
                tbl_s.at[pos_ref.at[0]], rows_ref.at[pl.ds(0, 128)],
                sem).wait()
            pltpu.make_async_copy(
                tbl_s.at[pos_ref.at[1, pl.ds(0, 72)]],
                rows_ref.at[pl.ds(128, 72)], sem).wait()

        lane = lax.iota(jnp.int32, L)
        for j in range(13):
            pos_v[j // 8, pl.ds((j % 8) * L, L)] = lane + (j * L + 1)
        gather_start(pos_v, tbl_fast, sg)
        gather_wait(pos_v, tbl_fast, sg)

        def row_body(r, carry):
            nout, pending, gpend, rslow = carry

            @pl.when(gpend == 1)
            def _resolve():
                gather_wait(pos_v, rows_v, sg)
                pltpu.async_copy(rows_v, out_hbm.at[base + rslow], ss)

            pending = jnp.maximum(pending, gpend)
            total = _row_total(inp_v, r)
            fast = total == SEQ

            @pl.when(fast)
            def _fast():
                pltpu.async_copy(tbl_fast, out_hbm.at[base + r], sf)

            @pl.when(fast & (nout >= KWIN))
            def _drain_one():
                pltpu.make_async_copy(tbl_fast, out_hbm.at[base + r],
                                      sf).wait()

            @pl.when(jnp.logical_not(fast))
            def _slow():
                @pl.when(pending == 1)
                def _wait_prev():
                    pltpu.make_async_copy(rows_v, out_hbm.at[base + r],
                                          ss).wait()

                _pos_chunks(inp_v, r, pos_v)
                gather_start(pos_v, rows_v, sg)

            nout = jnp.where(fast, jnp.minimum(nout + 1, KWIN), nout)
            pending = jnp.where(fast, pending, jnp.int32(0))
            gpend = jnp.where(fast, jnp.int32(0), jnp.int32(1))
            rslow = jnp.where(fast, rslow, r)
            return nout, pending, gpend, rslow

        nout, pending, gpend, rslow = lax.fori_loop(
            0, RPW, row_body,
            (jnp.int32(0), jnp.int32(0), jnp.int32(0), jnp.int32(0)))

        @pl.when(gpend == 1)
        def _final_gather():
            gather_wait(pos_v, rows_v, sg)
            pltpu.async_copy(rows_v, out_hbm.at[base + rslow], ss)
            pltpu.make_async_copy(rows_v, out_hbm.at[base + rslow],
                                  ss).wait()

        @pl.when((gpend == 0) & (pending == 1))
        def _final_slow():
            pltpu.make_async_copy(rows_v, out_hbm.at[base], ss).wait()

        def drain_body(i, _):
            pltpu.make_async_copy(tbl_fast, out_hbm.at[base], sf).wait()
            return 0

        lax.fori_loop(0, nout, drain_body, 0)

    return run(input, table)

# --- scband reference (transcript-rebuilt; emitter-appended) ---
"""Pipeline reference for scband-positional-embedding-16372415332418 (READ-ONLY COPY).

The authoritative reference and input builder live on the scoring server;
editing this copy changes nothing except your own understanding.
"""

import jax, jax.numpy as jnp
import numpy as np

PAD_INDEX = 0
NUM_EMBEDDINGS = 256
EMBED_DIM = 128
BATCH = 4096
SEQ = 200


def setup_inputs(seed: int = 0) -> dict:
    key = jax.random.key(seed)
    k1, k2 = jax.random.split(key)
    # token ids; value 0 acts as pad token (pad_index=0)
    inp = jax.random.randint(k1, (BATCH, SEQ), 0, 1000, dtype=jnp.int32)
    # learned positional embedding table (nn.Embedding weight); padding row zeroed like torch init
    table = jax.random.normal(k2, (NUM_EMBEDDINGS, EMBED_DIM), dtype=jnp.float32)
    table = table.at[PAD_INDEX].set(0.0)
    return {"input": inp, "table": table}


def reference(input, table):
    # _make_positions: positions = cumsum(input != pad) * mask + pad_index
    masked = (input != PAD_INDEX).astype(jnp.int32)
    positions = jnp.cumsum(masked, axis=1) * masked + PAD_INDEX
    # nn.Embedding with padding_idx: padding row contributes zeros
    table_p = table.at[PAD_INDEX].set(0.0)
    return jnp.take(table_p, positions, axis=0)

if __name__ == "__main__":
    import jax
    _d = setup_inputs()
    print(jax.jit(kernel)(*tuple(_d.values())))

</pallas_src>

<mosaic_0001>
#map = affine_map<(d0, d1) -> (0, 0)>
#map1 = affine_map<(d0, d1) -> (0, 0, 0)>
module attributes {stable_mosaic.version = 14 : i64} {
  func.func @run(%arg0: i32, %arg1: i32, %arg2: memref<4096x200xi32, #tpu.memory_space<hbm>>, %arg3: memref<256x128xf32, #tpu.memory_space<hbm>>, %arg4: memref<4096x200x128xf32, #tpu.memory_space<hbm>>, %arg5: memref<256x128xf32, #tpu.memory_space<vmem_shared>>, %arg6: memref<128x200xi32, #tpu.memory_space<vmem>>, %arg7: memref<200x128xf32, #tpu.memory_space<vmem>>, %arg8: memref<2x128xi32, #tpu.memory_space<vmem>>, %arg9: memref<200x128xf32, #tpu.memory_space<vmem>>, %arg10: memref<!tpu.dma_semaphore, #tpu.memory_space<semaphore_mem>>, %arg11: memref<!tpu.dma_semaphore, #tpu.memory_space<semaphore_mem>>, %arg12: memref<!tpu.dma_semaphore, #tpu.memory_space<semaphore_mem>>) attributes {dimension_semantics = [#tpu.dimension_semantics<core_parallel>, #tpu.dimension_semantics<subcore_parallel>], iteration_bounds = array<i64: 2, 16>, scalar_prefetch = 0 : i64, scratch_operands = 8 : i64, tpu.core_type = #tpu.core_type<sc_vector_subcore>, window_params = [{transform_indices = #map}, {transform_indices = #map}, {transform_indices = #map1}]} {
    %mul3A = arith.constant 2 : i32
    %mul3A_0 = arith.muli %arg1, %mul3A : i32
    %add3A = arith.addi %mul3A_0, %arg0 : i32
    %mul3A_1 = arith.constant 128 : i32
    %mul3A_2 = arith.muli %add3A, %mul3A_1 : i32
    %eq3A = arith.constant 0 : i32
    %eq3A_3 = arith.cmpi eq, %arg1, %eq3A : i32
    %convert_element_type3A = arith.extui %eq3A_3 : i1 to i32
    %cond3A = arith.constant 0 : i32
    %cond3A_4 = arith.cmpi ne, %convert_element_type3A, %cond3A : i32
    scf.if %cond3A_4 {
      "tpu.region"() ({
        %run_scoped3A = tpu.sem_alloc : memref<!tpu.dma_semaphore, #tpu.memory_space<semaphore_mem>>
        tpu.enqueue_dma source(%arg3 : memref<256x128xf32, #tpu.memory_space<hbm>>) target(%arg5 : memref<256x128xf32, #tpu.memory_space<vmem_shared>>) target_semaphore(%run_scoped3A : memref<!tpu.dma_semaphore, #tpu.memory_space<semaphore_mem>>)
        tpu.wait_dma2 semaphore(%run_scoped3A : memref<!tpu.dma_semaphore, #tpu.memory_space<semaphore_mem>>) src(%arg3 : memref<256x128xf32, #tpu.memory_space<hbm>>) dst(%arg5 : memref<256x128xf32, #tpu.memory_space<vmem_shared>>)
        tpu.yield
      }) : () -> ()
    } else {
    }
    "tpu.region"() ({
      %run_scoped3A = tpu.sem_alloc : memref<!tpu.dma_semaphore, #tpu.memory_space<semaphore_mem>>
      %dma_start3A_165 = arith.constant 0 : i32
      %dma_start3A_166 = tpu.memref_slice %arg2[%mul3A_2, %dma_start3A_165] : memref<4096x200xi32, #tpu.memory_space<hbm>> -> memref<128x200xi32, #tpu.memory_space<hbm>>
      %dma_start3A_167 = arith.constant 0 : i32
      %dma_start3A_168 = tpu.memref_slice %arg2[%mul3A_2, %dma_start3A_167] : memref<4096x200xi32, #tpu.memory_space<hbm>> -> memref<128x200xi32, #tpu.memory_space<hbm>>
      tpu.enqueue_dma source(%dma_start3A_168 : memref<128x200xi32, #tpu.memory_space<hbm>>) target(%arg6 : memref<128x200xi32, #tpu.memory_space<vmem>>) target_semaphore(%run_scoped3A : memref<!tpu.dma_semaphore, #tpu.memory_space<semaphore_mem>>)
      %dma_wait3A_169 = arith.constant 0 : i32
      %dma_wait3A_170 = tpu.memref_slice %arg2[%mul3A_2, %dma_wait3A_169] : memref<4096x200xi32, #tpu.memory_space<hbm>> -> memref<128x200xi32, #tpu.memory_space<hbm>>
      %dma_wait3A_171 = arith.constant 0 : i32
      %dma_wait3A_172 = tpu.memref_slice %arg2[%mul3A_2, %dma_wait3A_171] : memref<4096x200xi32, #tpu.memory_space<hbm>> -> memref<128x200xi32, #tpu.memory_space<hbm>>
      tpu.wait_dma2 semaphore(%run_scoped3A : memref<!tpu.dma_semaphore, #tpu.memory_space<semaphore_mem>>) src(%dma_wait3A_172 : memref<128x200xi32, #tpu.memory_space<hbm>>) dst(%arg6 : memref<128x200xi32, #tpu.memory_space<vmem>>)
      tpu.yield
    }) : () -> ()
    %barrier3A = arith.constant 0 : index
    tpu.barrier barrier_id(%barrier3A)
    %iota3A = tpu.iota {dimensions = array<i32: 0>} : vector<16xi32>
    %add3A_5 = arith.constant 1 : i32
    %add3A_6 = vector.broadcast %add3A_5 : i32 to vector<16xi32>
    %add3A_7 = arith.addi %iota3A, %add3A_6 : vector<16xi32>
    %swap3A = arith.constant 0 : i32
    %swap3A_8 = arith.index_cast %swap3A : i32 to index
    %swap3A_9 = arith.constant 0 : index
    %swap3A_10 = tpu.vector_load %arg8[%swap3A_8, %swap3A_9] {strides = array<i32>} : memref<2x128xi32, #tpu.memory_space<vmem>>, vector<16xi32>,
    tpu.vector_store %arg8[%swap3A_8, %swap3A_9], %add3A_7 {strides = array<i32>} : memref<2x128xi32, #tpu.memory_space<vmem>>, vector<16xi32>,
    %add3A_11 = arith.constant 17 : i32
    %add3A_12 = vector.broadcast %add3A_11 : i32 to vector<16xi32>
    %add3A_13 = arith.addi %iota3A, %add3A_12 : vector<16xi32>
    %swap3A_14 = arith.constant 0 : i32
    %swap3A_15 = arith.index_cast %swap3A_14 : i32 to index
    %swap3A_16 = arith.constant 16 : index
    %swap3A_17 = tpu.vector_load %arg8[%swap3A_15, %swap3A_16] {strides = array<i32>} : memref<2x128xi32, #tpu.memory_space<vmem>>, vector<16xi32>,
    tpu.vector_store %arg8[%swap3A_15, %swap3A_16], %add3A_13 {strides = array<i32>} : memref<2x128xi32, #tpu.memory_space<vmem>>, vector<16xi32>,
    %add3A_18 = arith.constant 33 : i32
    %add3A_19 = vector.broadcast %add3A_18 : i32 to vector<16xi32>
    %add3A_20 = arith.addi %iota3A, %add3A_19 : vector<16xi32>
    %swap3A_21 = arith.constant 0 : i32
    %swap3A_22 = arith.index_cast %swap3A_21 : i32 to index
    %swap3A_23 = arith.constant 32 : index
    %swap3A_24 = tpu.vector_load %arg8[%swap3A_22, %swap3A_23] {strides = array<i32>} : memref<2x128xi32, #tpu.memory_space<vmem>>, vector<16xi32>,
    tpu.vector_store %arg8[%swap3A_22, %swap3A_23], %add3A_20 {strides = array<i32>} : memref<2x128xi32, #tpu.memory_space<vmem>>, vector<16xi32>,
    %add3A_25 = arith.constant 49 : i32
    %add3A_26 = vector.broadcast %add3A_25 : i32 to vector<16xi32>
    %add3A_27 = arith.addi %iota3A, %add3A_26 : vector<16xi32>
    %swap3A_28 = arith.constant 0 : i32
    %swap3A_29 = arith.index_cast %swap3A_28 : i32 to index
    %swap3A_30 = arith.constant 48 : index
    %swap3A_31 = tpu.vector_load %arg8[%swap3A_29, %swap3A_30] {strides = array<i32>} : memref<2x128xi32, #tpu.memory_space<vmem>>, vector<16xi32>,
    tpu.vector_store %arg8[%swap3A_29, %swap3A_30], %add3A_27 {strides = array<i32>} : memref<2x128xi32, #tpu.memory_space<vmem>>, vector<16xi32>,
    %add3A_32 = arith.constant 65 : i32
    %add3A_33 = vector.broadcast %add3A_32 : i32 to vector<16xi32>
    %add3A_34 = arith.addi %iota3A, %add3A_33 : vector<16xi32>
    %swap3A_35 = arith.constant 0 : i32
    %swap3A_36 = arith.index_cast %swap3A_35 : i32 to index
    %swap3A_37 = arith.constant 64 : index
    %swap3A_38 = tpu.vector_load %arg8[%swap3A_36, %swap3A_37] {strides = array<i32>} : memref<2x128xi32, #tpu.memory_space<vmem>>, vector<16xi32>,
    tpu.vector_store %arg8[%swap3A_36, %swap3A_37], %add3A_34 {strides = array<i32>} : memref<2x128xi32, #tpu.memory_space<vmem>>, vector<16xi32>,
    %add3A_39 = arith.constant 81 : i32
    %add3A_40 = vector.broadcast %add3A_39 : i32 to vector<16xi32>
    %add3A_41 = arith.addi %iota3A, %add3A_40 : vector<16xi32>
    %swap3A_42 = arith.constant 0 : i32
    %swap3A_43 = arith.index_cast %swap3A_42 : i32 to index
    %swap3A_44 = arith.constant 80 : index
    %swap3A_45 = tpu.vector_load %arg8[%swap3A_43, %swap3A_44] {strides = array<i32>} : memref<2x128xi32, #tpu.memory_space<vmem>>, vector<16xi32>,
    tpu.vector_store %arg8[%swap3A_43, %swap3A_44], %add3A_41 {strides = array<i32>} : memref<2x128xi32, #tpu.memory_space<vmem>>, vector<16xi32>,
    %add3A_46 = arith.constant 97 : i32
    %add3A_47 = vector.broadcast %add3A_46 : i32 to vector<16xi32>
    %add3A_48 = arith.addi %iota3A, %add3A_47 : vector<16xi32>
    %swap3A_49 = arith.constant 0 : i32
    %swap3A_50 = arith.index_cast %swap3A_49 : i32 to index
    %swap3A_51 = arith.constant 96 : index
    %swap3A_52 = tpu.vector_load %arg8[%swap3A_50, %swap3A_51] {strides = array<i32>} : memref<2x128xi32, #tpu.memory_space<vmem>>, vector<16xi32>,
    tpu.vector_store %arg8[%swap3A_50, %swap3A_51], %add3A_48 {strides = array<i32>} : memref<2x128xi32, #tpu.memory_space<vmem>>, vector<16xi32>,
    %add3A_53 = arith.constant 113 : i32
    %add3A_54 = vector.broadcast %add3A_53 : i32 to vector<16xi32>
    %add3A_55 = arith.addi %iota3A, %add3A_54 : vector<16xi32>
    %swap3A_56 = arith.constant 0 : i32
    %swap3A_57 = arith.index_cast %swap3A_56 : i32 to index
    %swap3A_58 = arith.constant 112 : index
    %swap3A_59 = tpu.vector_load %arg8[%swap3A_57, %swap3A_58] {strides = array<i32>} : memref<2x128xi32, #tpu.memory_space<vmem>>, vector<16xi32>,
    tpu.vector_store %arg8[%swap3A_57, %swap3A_58], %add3A_55 {strides = array<i32>} : memref<2x128xi32, #tpu.memory_space<vmem>>, vector<16xi32>,
    %add3A_60 = arith.constant 129 : i32
    %add3A_61 = vector.broadcast %add3A_60 : i32 to vector<16xi32>
    %add3A_62 = arith.addi %iota3A, %add3A_61 : vector<16xi32>
    %swap3A_63 = arith.constant 1 : i32
    %swap3A_64 = arith.index_cast %swap3A_63 : i32 to index
    %swap3A_65 = arith.constant 0 : index
    %swap3A_66 = tpu.vector_load %arg8[%swap3A_64, %swap3A_65] {strides = array<i32>} : memref<2x128xi32, #tpu.memory_space<vmem>>, vector<16xi32>,
    tpu.vector_store %arg8[%swap3A_64, %swap3A_65], %add3A_62 {strides = array<i32>} : memref<2x128xi32, #tpu.memory_space<vmem>>, vector<16xi32>,
    %add3A_67 = arith.constant 145 : i32
    %add3A_68 = vector.broadcast %add3A_67 : i32 to vector<16xi32>
    %add3A_69 = arith.addi %iota3A, %add3A_68 : vector<16xi32>
    %swap3A_70 = arith.constant 1 : i32
    %swap3A_71 = arith.index_cast %swap3A_70 : i32 to index
    %swap3A_72 = arith.constant 16 : index
    %swap3A_73 = tpu.vector_load %arg8[%swap3A_71, %swap3A_72] {strides = array<i32>} : memref<2x128xi32, #tpu.memory_space<vmem>>, vector<16xi32>,
    tpu.vector_store %arg8[%swap3A_71, %swap3A_72], %add3A_69 {strides = array<i32>} : memref<2x128xi32, #tpu.memory_space<vmem>>, vector<16xi32>,
    %add3A_74 = arith.constant 161 : i32
    %add3A_75 = vector.broadcast %add3A_74 : i32 to vector<16xi32>
    %add3A_76 = arith.addi %iota3A, %add3A_75 : vector<16xi32>
    %swap3A_77 = arith.constant 1 : i32
    %swap3A_78 = arith.index_cast %swap3A_77 : i32 to index
    %swap3A_79 = arith.constant 32 : index
    %swap3A_80 = tpu.vector_load %arg8[%swap3A_78, %swap3A_79] {strides = array<i32>} : memref<2x128xi32, #tpu.memory_space<vmem>>, vector<16xi32>,
    tpu.vector_store %arg8[%swap3A_78, %swap3A_79], %add3A_76 {strides = array<i32>} : memref<2x128xi32, #tpu.memory_space<vmem>>, vector<16xi32>,
    %add3A_81 = arith.constant 177 : i32
    %add3A_82 = vector.broadcast %add3A_81 : i32 to vector<16xi32>
    %add3A_83 = arith.addi %iota3A, %add3A_82 : vector<16xi32>
    %swap3A_84 = arith.constant 1 : i32
    %swap3A_85 = arith.index_cast %swap3A_84 : i32 to index
    %swap3A_86 = arith.constant 48 : index
    %swap3A_87 = tpu.vector_load %arg8[%swap3A_85, %swap3A_86] {strides = array<i32>} : memref<2x128xi32, #tpu.memory_space<vmem>>, vector<16xi32>,
    tpu.vector_store %arg8[%swap3A_85, %swap3A_86], %add3A_83 {strides = array<i32>} : memref<2x128xi32, #tpu.memory_space<vmem>>, vector<16xi32>,
    %add3A_88 = arith.constant 193 : i32
    %add3A_89 = vector.broadcast %add3A_88 : i32 to vector<16xi32>
    %add3A_90 = arith.addi %iota3A, %add3A_89 : vector<16xi32>
    %swap3A_91 = arith.constant 1 : i32
    %swap3A_92 = arith.index_cast %swap3A_91 : i32 to index
    %swap3A_93 = arith.constant 64 : index
    %swap3A_94 = tpu.vector_load %arg8[%swap3A_92, %swap3A_93] {strides = array<i32>} : memref<2x128xi32, #tpu.memory_space<vmem>>, vector<16xi32>,
    tpu.vector_store %arg8[%swap3A_92, %swap3A_93], %add3A_90 {strides = array<i32>} : memref<2x128xi32, #tpu.memory_space<vmem>>, vector<16xi32>,
    %dma_start3A = arith.constant 0 : i32
    %dma_start3A_95 = arith.constant 0 : i32
    %dma_start3A_96 = arith.constant 0 : i32
    %dma_start3A_97 = tpu.memref_slice %arg7[%dma_start3A_95, %dma_start3A_96] : memref<200x128xf32, #tpu.memory_space<vmem>> -> memref<128x128xf32, #tpu.memory_space<vmem>>
    %dma_start3A_98 = arith.constant 0 : i32
    %dma_start3A_99 = tpu.memref_slice %arg8[%dma_start3A, %dma_start3A_98] : memref<2x128xi32, #tpu.memory_space<vmem>> -> memref<1x128xi32, #tpu.memory_space<vmem>>
    %dma_start3A_100 = tpu.memref_squeeze %dma_start3A_99 : memref<1x128xi32, #tpu.memory_space<vmem>> -> memref<128xi32, #tpu.memory_space<vmem>>
    %dma_start3A_101 = arith.constant 0 : i32
    %dma_start3A_102 = arith.constant 0 : i32
    %dma_start3A_103 = tpu.memref_slice %arg5[%dma_start3A_101, %dma_start3A_102] : memref<256x128xf32, #tpu.memory_space<vmem_shared>> -> memref<256x128xf32, #tpu.memory_space<vmem_shared>>
    tpu.enqueue_indirect_dma source(%dma_start3A_103 : memref<256x128xf32, #tpu.memory_space<vmem_shared>>) target(%dma_start3A_97 : memref<128x128xf32, #tpu.memory_space<vmem>>) offsets(%dma_start3A_100 : memref<128xi32, #tpu.memory_space<vmem>>) semaphore(%arg11 : memref<!tpu.dma_semaphore, #tpu.memory_space<semaphore_mem>>)
    %dma_start3A_104 = arith.constant 1 : i32
    %dma_start3A_105 = arith.constant 128 : i32
    %dma_start3A_106 = arith.constant 0 : i32
    %dma_start3A_107 = tpu.memref_slice %arg7[%dma_start3A_105, %dma_start3A_106] : memref<200x128xf32, #tpu.memory_space<vmem>> -> memref<72x128xf32, #tpu.memory_space<vmem>>
    %dma_start3A_108 = arith.constant 0 : i32
    %dma_start3A_109 = tpu.memref_slice %arg8[%dma_start3A_104, %dma_start3A_108] : memref<2x128xi32, #tpu.memory_space<vmem>> -> memref<1x72xi32, #tpu.memory_space<vmem>>
    %dma_start3A_110 = tpu.memref_squeeze %dma_start3A_109 : memref<1x72xi32, #tpu.memory_space<vmem>> -> memref<72xi32, #tpu.memory_space<vmem>>
    %dma_start3A_111 = arith.constant 0 : i32
    %dma_start3A_112 = arith.constant 0 : i32
    %dma_start3A_113 = tpu.memref_slice %arg5[%dma_start3A_111, %dma_start3A_112] : memref<256x128xf32, #tpu.memory_space<vmem_shared>> -> memref<256x128xf32, #tpu.memory_space<vmem_shared>>
    tpu.enqueue_indirect_dma source(%dma_start3A_113 : memref<256x128xf32, #tpu.memory_space<vmem_shared>>) target(%dma_start3A_107 : memref<72x128xf32, #tpu.memory_space<vmem>>) offsets(%dma_start3A_110 : memref<72xi32, #tpu.memory_space<vmem>>) semaphore(%arg11 : memref<!tpu.dma_semaphore, #tpu.memory_space<semaphore_mem>>)
    %dma_wait3A = arith.constant 0 : i32
    %dma_wait3A_114 = arith.constant 0 : i32
    %dma_wait3A_115 = arith.constant 0 : i32
    %dma_wait3A_116 = tpu.memref_slice %arg7[%dma_wait3A_114, %dma_wait3A_115] : memref<200x128xf32, #tpu.memory_space<vmem>> -> memref<128x128xf32, #tpu.memory_space<vmem>>
    %dma_wait3A_117 = arith.constant 0 : i32
    %dma_wait3A_118 = tpu.memref_slice %arg8[%dma_wait3A, %dma_wait3A_117] : memref<2x128xi32, #tpu.memory_space<vmem>> -> memref<1x128xi32, #tpu.memory_space<vmem>>
    %dma_wait3A_119 = tpu.memref_squeeze %dma_wait3A_118 : memref<1x128xi32, #tpu.memory_space<vmem>> -> memref<128xi32, #tpu.memory_space<vmem>>
    %dma_wait3A_120 = arith.constant 0 : i32
    %dma_wait3A_121 = arith.constant 0 : i32
    %dma_wait3A_122 = tpu.memref_slice %arg5[%dma_wait3A_120, %dma_wait3A_121] : memref<256x128xf32, #tpu.memory_space<vmem_shared>> -> memref<256x128xf32, #tpu.memory_space<vmem_shared>>
    tpu.wait_indirect_dma semaphore(%arg11 : memref<!tpu.dma_semaphore, #tpu.memory_space<semaphore_mem>>) src(%dma_wait3A_122 : memref<256x128xf32, #tpu.memory_space<vmem_shared>>) dst(%dma_wait3A_116 : memref<128x128xf32, #tpu.memory_space<vmem>>)
    %dma_wait3A_123 = arith.constant 1 : i32
    %dma_wait3A_124 = arith.constant 128 : i32
    %dma_wait3A_125 = arith.constant 0 : i32
    %dma_wait3A_126 = tpu.memref_slice %arg7[%dma_wait3A_124, %dma_wait3A_125] : memref<200x128xf32, #tpu.memory_space<vmem>> -> memref<72x128xf32, #tpu.memory_space<vmem>>
    %dma_wait3A_127 = arith.constant 0 : i32
    %dma_wait3A_128 = tpu.memref_slice %arg8[%dma_wait3A_123, %dma_wait3A_127] : memref<2x128xi32, #tpu.memory_space<vmem>> -> memref<1x72xi32, #tpu.memory_space<vmem>>
    %dma_wait3A_129 = tpu.memref_squeeze %dma_wait3A_128 : memref<1x72xi32, #tpu.memory_space<vmem>> -> memref<72xi32, #tpu.memory_space<vmem>>
    %dma_wait3A_130 = arith.constant 0 : i32
    %dma_wait3A_131 = arith.constant 0 : i32
    %dma_wait3A_132 = tpu.memref_slice %arg5[%dma_wait3A_130, %dma_wait3A_131] : memref<256x128xf32, #tpu.memory_space<vmem_shared>> -> memref<256x128xf32, #tpu.memory_space<vmem_shared>>
    tpu.wait_indirect_dma semaphore(%arg11 : memref<!tpu.dma_semaphore, #tpu.memory_space<semaphore_mem>>) src(%dma_wait3A_132 : memref<256x128xf32, #tpu.memory_space<vmem_shared>>) dst(%dma_wait3A_126 : memref<72x128xf32, #tpu.memory_space<vmem>>)
    %scan3A = arith.constant 0 : i32
    %scan3A_133 = arith.constant 0 : i32
    %scan3A_134 = arith.constant 0 : i32
    %scan3A_135 = arith.constant 0 : i32
    %scan3A_136 = arith.constant 0 : i32
    %scan3A_137 = arith.constant 128 : i32
    %scan3A_138 = arith.addi %scan3A_136, %scan3A_137 : i32
    %scan3A_139 = arith.constant 1 : i32
    %scan3A_140:4 = scf.for %scan3A_165 = %scan3A_136 to %scan3A_138 step %scan3A_139 iter_args(%scan3A_166 = %scan3A, %scan3A_167 = %scan3A_133, %scan3A_168 = %scan3A_134, %scan3A_169 = %scan3A_135) -> (i32, i32, i32, i32)  : i32 {
      %eq3A_170 = arith.constant 1 : i32
      %eq3A_171 = arith.cmpi eq, %scan3A_168, %eq3A_170 : i32
      %convert_element_type3A_172 = arith.extui %eq3A_171 : i1 to i32
      %cond3A_173 = arith.constant 0 : i32
      %cond3A_174 = arith.cmpi ne, %convert_element_type3A_172, %cond3A_173 : i32
      scf.if %cond3A_174 {
        %dma_wait3A_396 = arith.constant 0 : i32
        %dma_wait3A_397 = arith.constant 0 : i32
        %dma_wait3A_398 = arith.constant 0 : i32
        %dma_wait3A_399 = tpu.memref_slice %arg9[%dma_wait3A_397, %dma_wait3A_398] : memref<200x128xf32, #tpu.memory_space<vmem>> -> memref<128x128xf32, #tpu.memory_space<vmem>>
        %dma_wait3A_400 = arith.constant 0 : i32
        %dma_wait3A_401 = tpu.memref_slice %arg8[%dma_wait3A_396, %dma_wait3A_400] : memref<2x128xi32, #tpu.memory_space<vmem>> -> memref<1x128xi32, #tpu.memory_space<vmem>>
        %dma_wait3A_402 = tpu.memref_squeeze %dma_wait3A_401 : memref<1x128xi32, #tpu.memory_space<vmem>> -> memref<128xi32, #tpu.memory_space<vmem>>
        %dma_wait3A_403 = arith.constant 0 : i32
        %dma_wait3A_404 = arith.constant 0 : i32
        %dma_wait3A_405 = tpu.memref_slice %arg5[%dma_wait3A_403, %dma_wait3A_404] : memref<256x128xf32, #tpu.memory_space<vmem_shared>> -> memref<256x128xf32, #tpu.memory_space<vmem_shared>>
        tpu.wait_indirect_dma semaphore(%arg11 : memref<!tpu.dma_semaphore, #tpu.memory_space<semaphore_mem>>) src(%dma_wait3A_405 : memref<256x128xf32, #tpu.memory_space<vmem_shared>>) dst(%dma_wait3A_399 : memref<128x128xf32, #tpu.memory_space<vmem>>)
        %dma_wait3A_406 = arith.constant 1 : i32
        %dma_wait3A_407 = arith.constant 128 : i32
        %dma_wait3A_408 = arith.constant 0 : i32
        %dma_wait3A_409 = tpu.memref_slice %arg9[%dma_wait3A_407, %dma_wait3A_408] : memref<200x128xf32, #tpu.memory_space<vmem>> -> memref<72x128xf32, #tpu.memory_space<vmem>>
        %dma_wait3A_410 = arith.constant 0 : i32
        %dma_wait3A_411 = tpu.memref_slice %arg8[%dma_wait3A_406, %dma_wait3A_410] : memref<2x128xi32, #tpu.memory_space<vmem>> -> memref<1x72xi32, #tpu.memory_space<vmem>>
        %dma_wait3A_412 = tpu.memref_squeeze %dma_wait3A_411 : memref<1x72xi32, #tpu.memory_space<vmem>> -> memref<72xi32, #tpu.memory_space<vmem>>
        %dma_wait3A_413 = arith.constant 0 : i32
        %dma_wait3A_414 = arith.constant 0 : i32
        %dma_wait3A_415 = tpu.memref_slice %arg5[%dma_wait3A_413, %dma_wait3A_414] : memref<256x128xf32, #tpu.memory_space<vmem_shared>> -> memref<256x128xf32, #tpu.memory_space<vmem_shared>>
        tpu.wait_indirect_dma semaphore(%arg11 : memref<!tpu.dma_semaphore, #tpu.memory_space<semaphore_mem>>) src(%dma_wait3A_415 : memref<256x128xf32, #tpu.memory_space<vmem_shared>>) dst(%dma_wait3A_409 : memref<72x128xf32, #tpu.memory_space<vmem>>)
        %add3A_416 = arith.addi %mul3A_2, %scan3A_169 : i32
        %dma_start3A_417 = arith.constant 0 : i32
        %dma_start3A_418 = arith.constant 0 : i32
        %dma_start3A_419 = tpu.memref_slice %arg4[%add3A_416, %dma_start3A_417, %dma_start3A_418] : memref<4096x200x128xf32, #tpu.memory_space<hbm>> -> memref<1x200x128xf32, #tpu.memory_space<hbm>>
        %dma_start3A_420 = tpu.memref_squeeze %dma_start3A_419 : memref<1x200x128xf32, #tpu.memory_space<hbm>> -> memref<200x128xf32, #tpu.memory_space<hbm>>
        %dma_start3A_421 = arith.constant 0 : i32
        %dma_start3A_422 = arith.constant 0 : i32
        %dma_start3A_423 = tpu.memref_slice %arg4[%add3A_416, %dma_start3A_421, %dma_start3A_422] : memref<4096x200x128xf32, #tpu.memory_space<hbm>> -> memref<1x200x128xf32, #tpu.memory_space<hbm>>
        %dma_start3A_424 = tpu.memref_squeeze %dma_start3A_423 : memref<1x200x128xf32, #tpu.memory_space<hbm>> -> memref<200x128xf32, #tpu.memory_space<hbm>>
        tpu.enqueue_dma source(%arg9 : memref<200x128xf32, #tpu.memory_space<vmem>>) target(%dma_start3A_424 : memref<200x128xf32, #tpu.memory_space<hbm>>) target_semaphore(%arg12 : memref<!tpu.dma_semaphore, #tpu.memory_space<semaphore_mem>>)
      } else {
      }
      %max3A = arith.maxsi %scan3A_167, %scan3A_168 : i32
      %get3A = arith.index_cast %scan3A_165 : i32 to index
      %get3A_175 = arith.constant 0 : index
      %get3A_176 = tpu.vector_load %arg6[%get3A, %get3A_175] {strides = array<i32>} : memref<128x200xi32, #tpu.memory_space<vmem>>, vector<16xi32>,
      %sub3A = arith.constant 0 : i32
      %sub3A_177 = vector.broadcast %sub3A : i32 to vector<16xi32>
      %sub3A_178 = arith.subi %sub3A_177, %get3A_176 : vector<16xi32>
      %or3A = arith.ori %get3A_176, %sub3A_178 : vector<16xi32>
      %shift_right_logical3A = arith.constant 31 : i32
      %shift_right_logical3A_179 = vector.broadcast %shift_right_logical3A : i32 to vector<16xi32>
      %shift_right_logical3A_180 = arith.shrui %or3A, %shift_right_logical3A_179 : vector<16xi32>
      %reduce_sum3A = arith.constant true
      %reduce_sum3A_181 = vector.broadcast %reduce_sum3A : i1 to vector<16xi1>
      %reduce_sum3A_182 = tpu.scan <sum>, %shift_right_logical3A_180 masked %reduce_sum3A_181 : vector<16xi32>, vector<16xi1> -> vector<16xi32>
      %reduce_sum3A_183 = vector.extract %reduce_sum3A_182[15] : i32 from vector<16xi32>
      %add3A_184 = arith.constant 0 : i32
      %add3A_185 = arith.addi %add3A_184, %reduce_sum3A_183 : i32
      %get3A_186 = arith.index_cast %scan3A_165 : i32 to index
      %get3A_187 = arith.constant 16 : index
      %get3A_188 = tpu.vector_load %arg6[%get3A_186, %get3A_187] {strides = array<i32>} : memref<128x200xi32, #tpu.memory_space<vmem>>, vector<16xi32>,
      %sub3A_189 = arith.constant 0 : i32
      %sub3A_190 = vector.broadcast %sub3A_189 : i32 to vector<16xi32>
      %sub3A_191 = arith.subi %sub3A_190, %get3A_188 : vector<16xi32>
      %or3A_192 = arith.ori %get3A_188, %sub3A_191 : vector<16xi32>
      %shift_right_logical3A_193 = arith.constant 31 : i32
      %shift_right_logical3A_194 = vector.broadcast %shift_right_logical3A_193 : i32 to vector<16xi32>
      %shift_right_logical3A_195 = arith.shrui %or3A_192, %shift_right_logical3A_194 : vector<16xi32>
      %reduce_sum3A_196 = arith.constant true
      %reduce_sum3A_197 = vector.broadcast %reduce_sum3A_196 : i1 to vector<16xi1>
      %reduce_sum3A_198 = tpu.scan <sum>, %shift_right_logical3A_195 masked %reduce_sum3A_197 : vector<16xi32>, vector<16xi1> -> vector<16xi32>
      %reduce_sum3A_199 = vector.extract %reduce_sum3A_198[15] : i32 from vector<16xi32>
      %add3A_200 = arith.addi %add3A_185, %reduce_sum3A_199 : i32
      %get3A_201 = arith.index_cast %scan3A_165 : i32 to index
      %get3A_202 = arith.constant 32 : index
      %get3A_203 = tpu.vector_load %arg6[%get3A_201, %get3A_202] {strides = array<i32>} : memref<128x200xi32, #tpu.memory_space<vmem>>, vector<16xi32>,
      %sub3A_204 = arith.constant 0 : i32
      %sub3A_205 = vector.broadcast %sub3A_204 : i32 to vector<16xi32>
      %sub3A_206 = arith.subi %sub3A_205, %get3A_203 : vector<16xi32>
      %or3A_207 = arith.ori %get3A_203, %sub3A_206 : vector<16xi32>
      %shift_right_logical3A_208 = arith.constant 31 : i32
      %shift_right_logical3A_209 = vector.broadcast %shift_right_logical3A_208 : i32 to vector<16xi32>
      %shift_right_logical3A_210 = arith.shrui %or3A_207, %shift_right_logical3A_209 : vector<16xi32>
      %reduce_sum3A_211 = arith.constant true
      %reduce_sum3A_212 = vector.broadcast %reduce_sum3A_211 : i1 to vector<16xi1>
      %reduce_sum3A_213 = tpu.scan <sum>, %shift_right_logical3A_210 masked %reduce_sum3A_212 : vector<16xi32>, vector<16xi1> -> vector<16xi32>
      %reduce_sum3A_214 = vector.extract %reduce_sum3A_213[15] : i32 from vector<16xi32>
      %add3A_215 = arith.addi %add3A_200, %reduce_sum3A_214 : i32
      %get3A_216 = arith.index_cast %scan3A_165 : i32 to index
      %get3A_217 = arith.constant 48 : index
      %get3A_218 = tpu.vector_load %arg6[%get3A_216, %get3A_217] {strides = array<i32>} : memref<128x200xi32, #tpu.memory_space<vmem>>, vector<16xi32>,
      %sub3A_219 = arith.constant 0 : i32
      %sub3A_220 = vector.broadcast %sub3A_219 : i32 to vector<16xi32>
      %sub3A_221 = arith.subi %sub3A_220, %get3A_218 : vector<16xi32>
      %or3A_222 = arith.ori %get3A_218, %sub3A_221 : vector<16xi32>
      %shift_right_logical3A_223 = arith.constant 31 : i32
      %shift_right_logical3A_224 = vector.broadcast %shift_right_logical3A_223 : i32 to vector<16xi32>
      %shift_right_logical3A_225 = arith.shrui %or3A_222, %shift_right_logical3A_224 : vector<16xi32>
      %reduce_sum3A_226 = arith.constant true
      %reduce_sum3A_227 = vector.broadcast %reduce_sum3A_226 : i1 to vector<16xi1>
      %reduce_sum3A_228 = tpu.scan <sum>, %shift_right_logical3A_225 masked %reduce_sum3A_227 : vector<16xi32>, vector<16xi1> -> vector<16xi32>
      %reduce_sum3A_229 = vector.extract %reduce_sum3A_228[15] : i32 from vector<16xi32>
      %add3A_230 = arith.addi %add3A_215, %reduce_sum3A_229 : i32
      %get3A_231 = arith.index_cast %scan3A_165 : i32 to index
      %get3A_232 = arith.constant 64 : index
      %get3A_233 = tpu.vector_load %arg6[%get3A_231, %get3A_232] {strides = array<i32>} : memref<128x200xi32, #tpu.memory_space<vmem>>, vector<16xi32>,
      %sub3A_234 = arith.constant 0 : i32
      %sub3A_235 = vector.broadcast %sub3A_234 : i32 to vector<16xi32>
      %sub3A_236 = arith.subi %sub3A_235, %get3A_233 : vector<16xi32>
      %or3A_237 = arith.ori %get3A_233, %sub3A_236 : vector<16xi32>
      %shift_right_logical3A_238 = arith.constant 31 : i32
      %shift_right_logical3A_239 = vector.broadcast %shift_right_logical3A_238 : i32 to vector<16xi32>
      %shift_right_logical3A_240 = arith.shrui %or3A_237, %shift_right_logical3A_239 : vector<16xi32>
      %reduce_sum3A_241 = arith.constant true
      %reduce_sum3A_242 = vector.broadcast %reduce_sum3A_241 : i1 to vector<16xi1>
      %reduce_sum3A_243 = tpu.scan <sum>, %shift_right_logical3A_240 masked %reduce_sum3A_242 : vector<16xi32>, vector<16xi1> -> vector<16xi32>
      %reduce_sum3A_244 = vector.extract %reduce_sum3A_243[15] : i32 from vector<16xi32>
      %add3A_245 = arith.addi %add3A_230, %reduce_sum3A_244 : i32
      %get3A_246 = arith.index_cast %scan3A_165 : i32 to index
      %get3A_247 = arith.constant 80 : index
      %get3A_248 = tpu.vector_load %arg6[%get3A_246, %get3A_247] {strides = array<i32>} : memref<128x200xi32, #tpu.memory_space<vmem>>, vector<16xi32>,
      %sub3A_249 = arith.constant 0 : i32
      %sub3A_250 = vector.broadcast %sub3A_249 : i32 to vector<16xi32>
      %sub3A_251 = arith.subi %sub3A_250, %get3A_248 : vector<16xi32>
      %or3A_252 = arith.ori %get3A_248, %sub3A_251 : vector<16xi32>
      %shift_right_logical3A_253 = arith.constant 31 : i32
      %shift_right_logical3A_254 = vector.broadcast %shift_right_logical3A_253 : i32 to vector<16xi32>
      %shift_right_logical3A_255 = arith.shrui %or3A_252, %shift_right_logical3A_254 : vector<16xi32>
      %reduce_sum3A_256 = arith.constant true
      %reduce_sum3A_257 = vector.broadcast %reduce_sum3A_256 : i1 to vector<16xi1>
      %reduce_sum3A_258 = tpu.scan <sum>, %shift_right_logical3A_255 masked %reduce_sum3A_257 : vector<16xi32>, vector<16xi1> -> vector<16xi32>
      %reduce_sum3A_259 = vector.extract %reduce_sum3A_258[15] : i32 from vector<16xi32>
      %add3A_260 = arith.addi %add3A_245, %reduce_sum3A_259 : i32
      %get3A_261 = arith.index_cast %scan3A_165 : i32 to index
      %get3A_262 = arith.constant 96 : index
      %get3A_263 = tpu.vector_load %arg6[%get3A_261, %get3A_262] {strides = array<i32>} : memref<128x200xi32, #tpu.memory_space<vmem>>, vector<16xi32>,
      %sub3A_264 = arith.constant 0 : i32
      %sub3A_265 = vector.broadcast %sub3A_264 : i32 to vector<16xi32>
      %sub3A_266 = arith.subi %sub3A_265, %get3A_263 : vector<16xi32>
      %or3A_267 = arith.ori %get3A_263, %sub3A_266 : vector<16xi32>
      %shift_right_logical3A_268 = arith.constant 31 : i32
      %shift_right_logical3A_269 = vector.broadcast %shift_right_logical3A_268 : i32 to vector<16xi32>
      %shift_right_logical3A_270 = arith.shrui %or3A_267, %shift_right_logical3A_269 : vector<16xi32>
      %reduce_sum3A_271 = arith.constant true
      %reduce_sum3A_272 = vector.broadcast %reduce_sum3A_271 : i1 to vector<16xi1>
      %reduce_sum3A_273 = tpu.scan <sum>, %shift_right_logical3A_270 masked %reduce_sum3A_272 : vector<16xi32>, vector<16xi1> -> vector<16xi32>
      %reduce_sum3A_274 = vector.extract %reduce_sum3A_273[15] : i32 from vector<16xi32>
      %add3A_275 = arith.addi %add3A_260, %reduce_sum3A_274 : i32
      %get3A_276 = arith.index_cast %scan3A_165 : i32 to index
      %get3A_277 = arith.constant 112 : index
      %get3A_278 = tpu.vector_load %arg6[%get3A_276, %get3A_277] {strides = array<i32>} : memref<128x200xi32, #tpu.memory_space<vmem>>, vector<16xi32>,
      %sub3A_279 = arith.constant 0 : i32
      %sub3A_280 = vector.broadcast %sub3A_279 : i32 to vector<16xi32>
      %sub3A_281 = arith.subi %sub3A_280, %get3A_278 : vector<16xi32>
      %or3A_282 = arith.ori %get3A_278, %sub3A_281 : vector<16xi32>
      %shift_right_logical3A_283 = arith.constant 31 : i32
      %shift_right_logical3A_284 = vector.broadcast %shift_right_logical3A_283 : i32 to vector<16xi32>
      %shift_right_logical3A_285 = arith.shrui %or3A_282, %shift_right_logical3A_284 : vector<16xi32>
      %reduce_sum3A_286 = arith.constant true
      %reduce_sum3A_287 = vector.broadcast %reduce_sum3A_286 : i1 to vector<16xi1>
      %reduce_sum3A_288 = tpu.scan <sum>, %shift_right_logical3A_285 masked %reduce_sum3A_287 : vector<16xi32>, vector<16xi1> -> vector<16xi32>
      %reduce_sum3A_289 = vector.extract %reduce_sum3A_288[15] : i32 from vector<16xi32>
      %add3A_290 = arith.addi %add3A_275, %reduce_sum3A_289 : i32
      %get3A_291 = arith.index_cast %scan3A_165 : i32 to index
      %get3A_292 = arith.constant 128 : index
      %get3A_293 = tpu.vector_load %arg6[%get3A_291, %get3A_292] {strides = array<i32>} : memref<128x200xi32, #tpu.memory_space<vmem>>, vector<16xi32>,
      %sub3A_294 = arith.constant 0 : i32
      %sub3A_295 = vector.broadcast %sub3A_294 : i32 to vector<16xi32>
      %sub3A_296 = arith.subi %sub3A_295, %get3A_293 : vector<16xi32>
      %or3A_297 = arith.ori %get3A_293, %sub3A_296 : vector<16xi32>
      %shift_right_logical3A_298 = arith.constant 31 : i32
      %shift_right_logical3A_299 = vector.broadcast %shift_right_logical3A_298 : i32 to vector<16xi32>
      %shift_right_logical3A_300 = arith.shrui %or3A_297, %shift_right_logical3A_299 : vector<16xi32>
      %reduce_sum3A_301 = arith.constant true
      %reduce_sum3A_302 = vector.broadcast %reduce_sum3A_301 : i1 to vector<16xi1>
      %reduce_sum3A_303 = tpu.scan <sum>, %shift_right_logical3A_300 masked %reduce_sum3A_302 : vector<16xi32>, vector<16xi1> -> vector<16xi32>
      %reduce_sum3A_304 = vector.extract %reduce_sum3A_303[15] : i32 from vector<16xi32>
      %add3A_305 = arith.addi %add3A_290, %reduce_sum3A_304 : i32
      %get3A_306 = arith.index_cast %scan3A_165 : i32 to index
      %get3A_307 = arith.constant 144 : index
      %get3A_308 = tpu.vector_load %arg6[%get3A_306, %get3A_307] {strides = array<i32>} : memref<128x200xi32, #tpu.memory_space<vmem>>, vector<16xi32>,
      %sub3A_309 = arith.constant 0 : i32
      %sub3A_310 = vector.broadcast %sub3A_309 : i32 to vector<16xi32>
      %sub3A_311 = arith.subi %sub3A_310, %get3A_308 : vector<16xi32>
      %or3A_312 = arith.ori %get3A_308, %sub3A_311 : vector<16xi32>
      %shift_right_logical3A_313 = arith.constant 31 : i32
      %shift_right_logical3A_314 = vector.broadcast %shift_right_logical3A_313 : i32 to vector<16xi32>
      %shift_right_logical3A_315 = arith.shrui %or3A_312, %shift_right_logical3A_314 : vector<16xi32>
      %reduce_sum3A_316 = arith.constant true
      %reduce_sum3A_317 = vector.broadcast %reduce_sum3A_316 : i1 to vector<16xi1>
      %reduce_sum3A_318 = tpu.scan <sum>, %shift_right_logical3A_315 masked %reduce_sum3A_317 : vector<16xi32>, vector<16xi1> -> vector<16xi32>
      %reduce_sum3A_319 = vector.extract %reduce_sum3A_318[15] : i32 from vector<16xi32>
      %add3A_320 = arith.addi %add3A_305, %reduce_sum3A_319 : i32
      %get3A_321 = arith.index_cast %scan3A_165 : i32 to index
      %get3A_322 = arith.constant 160 : index
      %get3A_323 = tpu.vector_load %arg6[%get3A_321, %get3A_322] {strides = array<i32>} : memref<128x200xi32, #tpu.memory_space<vmem>>, vector<16xi32>,
      %sub3A_324 = arith.constant 0 : i32
      %sub3A_325 = vector.broadcast %sub3A_324 : i32 to vector<16xi32>
      %sub3A_326 = arith.subi %sub3A_325, %get3A_323 : vector<16xi32>
      %or3A_327 = arith.ori %get3A_323, %sub3A_326 : vector<16xi32>
      %shift_right_logical3A_328 = arith.constant 31 : i32
      %shift_right_logical3A_329 = vector.broadcast %shift_right_logical3A_328 : i32 to vector<16xi32>
      %shift_right_logical3A_330 = arith.shrui %or3A_327, %shift_right_logical3A_329 : vector<16xi32>
      %reduce_sum3A_331 = arith.constant true
      %reduce_sum3A_332 = vector.broadcast %reduce_sum3A_331 : i1 to vector<16xi1>
      %reduce_sum3A_333 = tpu.scan <sum>, %shift_right_logical3A_330 masked %reduce_sum3A_332 : vector<16xi32>, vector<16xi1> -> vector<16xi32>
      %reduce_sum3A_334 = vector.extract %reduce_sum3A_333[15] : i32 from vector<16xi32>
      %add3A_335 = arith.addi %add3A_320, %reduce_sum3A_334 : i32
      %get3A_336 = arith.index_cast %scan3A_165 : i32 to index
      %get3A_337 = arith.constant 176 : index
      %get3A_338 = tpu.vector_load %arg6[%get3A_336, %get3A_337] {strides = array<i32>} : memref<128x200xi32, #tpu.memory_space<vmem>>, vector<16xi32>,
      %sub3A_339 = arith.constant 0 : i32
      %sub3A_340 = vector.broadcast %sub3A_339 : i32 to vector<16xi32>
      %sub3A_341 = arith.subi %sub3A_340, %get3A_338 : vector<16xi32>
      %or3A_342 = arith.ori %get3A_338, %sub3A_341 : vector<16xi32>
      %shift_right_logical3A_343 = arith.constant 31 : i32
      %shift_right_logical3A_344 = vector.broadcast %shift_right_logical3A_343 : i32 to vector<16xi32>
      %shift_right_logical3A_345 = arith.shrui %or3A_342, %shift_right_logical3A_344 : vector<16xi32>
      %reduce_sum3A_346 = arith.constant true
      %reduce_sum3A_347 = vector.broadcast %reduce_sum3A_346 : i1 to vector<16xi1>
      %reduce_sum3A_348 = tpu.scan <sum>, %shift_right_logical3A_345 masked %reduce_sum3A_347 : vector<16xi32>, vector<16xi1> -> vector<16xi32>
      %reduce_sum3A_349 = vector.extract %reduce_sum3A_348[15] : i32 from vector<16xi32>
      %add3A_350 = arith.addi %add3A_335, %reduce_sum3A_349 : i32
      %get3A_351 = arith.index_cast %scan3A_165 : i32 to index
      %get3A_352 = arith.constant 184 : index
      %get3A_353 = tpu.vector_load %arg6[%get3A_351, %get3A_352] {strides = array<i32>} : memref<128x200xi32, #tpu.memory_space<vmem>>, vector<16xi32>,
      %sub3A_354 = arith.constant 0 : i32
      %sub3A_355 = vector.broadcast %sub3A_354 : i32 to vector<16xi32>
      %sub3A_356 = arith.subi %sub3A_355, %get3A_353 : vector<16xi32>
      %or3A_357 = arith.ori %get3A_353, %sub3A_356 : vector<16xi32>
      %shift_right_logical3A_358 = arith.constant 31 : i32
      %shift_right_logical3A_359 = vector.broadcast %shift_right_logical3A_358 : i32 to vector<16xi32>
      %shift_right_logical3A_360 = arith.shrui %or3A_357, %shift_right_logical3A_359 : vector<16xi32>
      %iota3A_361 = tpu.iota {dimensions = array<i32: 0>} : vector<16xi32>
      %sub3A_362 = arith.constant 7 : i32
      %sub3A_363 = vector.broadcast %sub3A_362 : i32 to vector<16xi32>
      %sub3A_364 = arith.subi %sub3A_363, %iota3A_361 : vector<16xi32>
      %shift_right_logical3A_365 = arith.constant 31 : i32
      %shift_right_logical3A_366 = vector.broadcast %shift_right_logical3A_365 : i32 to vector<16xi32>
      %shift_right_logical3A_367 = arith.shrui %sub3A_364, %shift_right_logical3A_366 : vector<16xi32>
      %mul3A_368 = arith.muli %shift_right_logical3A_360, %shift_right_logical3A_367 : vector<16xi32>
      %reduce_sum3A_369 = arith.constant true
      %reduce_sum3A_370 = vector.broadcast %reduce_sum3A_369 : i1 to vector<16xi1>
      %reduce_sum3A_371 = tpu.scan <sum>, %mul3A_368 masked %reduce_sum3A_370 : vector<16xi32>, vector<16xi1> -> vector<16xi32>
      %reduce_sum3A_372 = vector.extract %reduce_sum3A_371[15] : i32 from vector<16xi32>
      %add3A_373 = arith.addi %add3A_350, %reduce_sum3A_372 : i32
      %eq3A_374 = arith.constant 200 : i32
      %eq3A_375 = arith.cmpi eq, %add3A_373, %eq3A_374 : i32
      %convert_element_type3A_376 = arith.extui %eq3A_375 : i1 to i32
      %cond3A_377 = arith.constant 0 : i32
      %cond3A_378 = arith.cmpi ne, %convert_element_type3A_376, %cond3A_377 : i32
      scf.if %cond3A_378 {
        %add3A_396 = arith.addi %mul3A_2, %scan3A_165 : i32
        %dma_start3A_397 = arith.constant 0 : i32
        %dma_start3A_398 = arith.constant 0 : i32
        %dma_start3A_399 = tpu.memref_slice %arg4[%add3A_396, %dma_start3A_397, %dma_start3A_398] : memref<4096x200x128xf32, #tpu.memory_space<hbm>> -> memref<1x200x128xf32, #tpu.memory_space<hbm>>
        %dma_start3A_400 = tpu.memref_squeeze %dma_start3A_399 : memref<1x200x128xf32, #tpu.memory_space<hbm>> -> memref<200x128xf32, #tpu.memory_space<hbm>>
        %dma_start3A_401 = arith.constant 0 : i32
        %dma_start3A_402 = arith.constant 0 : i32
        %dma_start3A_403 = tpu.memref_slice %arg4[%add3A_396, %dma_start3A_401, %dma_start3A_402] : memref<4096x200x128xf32, #tpu.memory_space<hbm>> -> memref<1x200x128xf32, #tpu.memory_space<hbm>>
        %dma_start3A_404 = tpu.memref_squeeze %dma_start3A_403 : memref<1x200x128xf32, #tpu.memory_space<hbm>> -> memref<200x128xf32, #tpu.memory_space<hbm>>
        tpu.enqueue_dma source(%arg7 : memref<200x128xf32, #tpu.memory_space<vmem>>) target(%dma_start3A_404 : memref<200x128xf32, #tpu.memory_space<hbm>>) target_semaphore(%arg10 : memref<!tpu.dma_semaphore, #tpu.memory_space<semaphore_mem>>)
      } else {
      }
      %ge3A = arith.constant 12 : i32
      %ge3A_379 = arith.cmpi sge, %scan3A_166, %ge3A : i32
      %and3A_380 = arith.andi %eq3A_375, %ge3A_379 : i1
      %convert_element_type3A_381 = arith.extui %and3A_380 : i1 to i32
      %cond3A_382 = arith.constant 0 : i32
      %cond3A_383 = arith.cmpi ne, %convert_element_type3A_381, %cond3A_382 : i32
      scf.if %cond3A_383 {
        %add3A_396 = arith.addi %mul3A_2, %scan3A_165 : i32
        %dma_wait3A_397 = arith.constant 0 : i32
        %dma_wait3A_398 = arith.constant 0 : i32
        %dma_wait3A_399 = tpu.memref_slice %arg4[%add3A_396, %dma_wait3A_397, %dma_wait3A_398] : memref<4096x200x128xf32, #tpu.memory_space<hbm>> -> memref<1x200x128xf32, #tpu.memory_space<hbm>>
        %dma_wait3A_400 = tpu.memref_squeeze %dma_wait3A_399 : memref<1x200x128xf32, #tpu.memory_space<hbm>> -> memref<200x128xf32, #tpu.memory_space<hbm>>
        %dma_wait3A_401 = arith.constant 0 : i32
        %dma_wait3A_402 = arith.constant 0 : i32
        %dma_wait3A_403 = tpu.memref_slice %arg4[%add3A_396, %dma_wait3A_401, %dma_wait3A_402] : memref<4096x200x128xf32, #tpu.memory_space<hbm>> -> memref<1x200x128xf32, #tpu.memory_space<hbm>>
        %dma_wait3A_404 = tpu.memref_squeeze %dma_wait3A_403 : memref<1x200x128xf32, #tpu.memory_space<hbm>> -> memref<200x128xf32, #tpu.memory_space<hbm>>
        tpu.wait_dma2 semaphore(%arg10 : memref<!tpu.dma_semaphore, #tpu.memory_space<semaphore_mem>>) src(%arg7 : memref<200x128xf32, #tpu.memory_space<vmem>>) dst(%dma_wait3A_404 : memref<200x128xf32, #tpu.memory_space<hbm>>)
      } else {
      }
      %not3A = arith.constant true
      %not3A_384 = arith.xori %eq3A_375, %not3A : i1
      %convert_element_type3A_385 = arith.extui %not3A_384 : i1 to i32
      %cond3A_386 = arith.constant 0 : i32
      %cond3A_387 = arith.cmpi ne, %convert_element_type3A_385, %cond3A_386 : i32
      scf.if %cond3A_387 {
        %eq3A_396 = arith.constant 1 : i32
        %eq3A_397 = arith.cmpi eq, %max3A, %eq3A_396 : i32
        %convert_element_type3A_398 = arith.extui %eq3A_397 : i1 to i32
        %cond3A_399 = arith.constant 0 : i32
        %cond3A_400 = arith.cmpi ne, %convert_element_type3A_398, %cond3A_399 : i32
        scf.if %cond3A_400 {
          %add3A_749 = arith.addi %mul3A_2, %scan3A_165 : i32
          %dma_wait3A_750 = arith.constant 0 : i32
          %dma_wait3A_751 = arith.constant 0 : i32
          %dma_wait3A_752 = tpu.memref_slice %arg4[%add3A_749, %dma_wait3A_750, %dma_wait3A_751] : memref<4096x200x128xf32, #tpu.memory_space<hbm>> -> memref<1x200x128xf32, #tpu.memory_space<hbm>>
          %dma_wait3A_753 = tpu.memref_squeeze %dma_wait3A_752 : memref<1x200x128xf32, #tpu.memory_space<hbm>> -> memref<200x128xf32, #tpu.memory_space<hbm>>
          %dma_wait3A_754 = arith.constant 0 : i32
          %dma_wait3A_755 = arith.constant 0 : i32
          %dma_wait3A_756 = tpu.memref_slice %arg4[%add3A_749, %dma_wait3A_754, %dma_wait3A_755] : memref<4096x200x128xf32, #tpu.memory_space<hbm>> -> memref<1x200x128xf32, #tpu.memory_space<hbm>>
          %dma_wait3A_757 = tpu.memref_squeeze %dma_wait3A_756 : memref<1x200x128xf32, #tpu.memory_space<hbm>> -> memref<200x128xf32, #tpu.memory_space<hbm>>
          tpu.wait_dma2 semaphore(%arg12 : memref<!tpu.dma_semaphore, #tpu.memory_space<semaphore_mem>>) src(%arg9 : memref<200x128xf32, #tpu.memory_space<vmem>>) dst(%dma_wait3A_757 : memref<200x128xf32, #tpu.memory_space<hbm>>)
        } else {
        }
        %get3A_401 = arith.index_cast %scan3A_165 : i32 to index
        %get3A_402 = arith.constant 0 : index
        %get3A_403 = tpu.vector_load %arg6[%get3A_401, %get3A_402] {strides = array<i32>} : memref<128x200xi32, #tpu.memory_space<vmem>>, vector<16xi32>,
        %sub3A_404 = arith.constant 0 : i32
        %sub3A_405 = vector.broadcast %sub3A_404 : i32 to vector<16xi32>
        %sub3A_406 = arith.subi %sub3A_405, %get3A_403 : vector<16xi32>
        %or3A_407 = arith.ori %get3A_403, %sub3A_406 : vector<16xi32>
        %shift_right_logical3A_408 = arith.constant 31 : i32
        %shift_right_logical3A_409 = vector.broadcast %shift_right_logical3A_408 : i32 to vector<16xi32>
        %shift_right_logical3A_410 = arith.shrui %or3A_407, %shift_right_logical3A_409 : vector<16xi32>
        %broadcast_in_dim3A = arith.constant true
        %broadcast_in_dim3A_411 = vector.broadcast %broadcast_in_dim3A : i1 to vector<16xi1>
        %masked_cumsum3A = tpu.scan <sum>, %shift_right_logical3A_410 masked %broadcast_in_dim3A_411 : vector<16xi32>, vector<16xi1> -> vector<16xi32>
        %add3A_412 = arith.constant 0 : i32
        %add3A_413 = vector.broadcast %add3A_412 : i32 to vector<16xi32>
        %add3A_414 = arith.addi %masked_cumsum3A, %add3A_413 : vector<16xi32>
        %mul3A_415 = arith.muli %add3A_414, %shift_right_logical3A_410 : vector<16xi32>
        %swap3A_416 = arith.constant 0 : i32
        %swap3A_417 = arith.index_cast %swap3A_416 : i32 to index
        %swap3A_418 = arith.constant 0 : index
        %swap3A_419 = tpu.vector_load %arg8[%swap3A_417, %swap3A_418] {strides = array<i32>} : memref<2x128xi32, #tpu.memory_space<vmem>>, vector<16xi32>,
        tpu.vector_store %arg8[%swap3A_417, %swap3A_418], %mul3A_415 {strides = array<i32>} : memref<2x128xi32, #tpu.memory_space<vmem>>, vector<16xi32>,
        %reduce_sum3A_420 = arith.constant true
        %reduce_sum3A_421 = vector.broadcast %reduce_sum3A_420 : i1 to vector<16xi1>
        %reduce_sum3A_422 = tpu.scan <sum>, %shift_right_logical3A_410 masked %reduce_sum3A_421 : vector<16xi32>, vector<16xi1> -> vector<16xi32>
        %reduce_sum3A_423 = vector.extract %reduce_sum3A_422[15] : i32 from vector<16xi32>
        %add3A_424 = arith.constant 0 : i32
        %add3A_425 = arith.addi %add3A_424, %reduce_sum3A_423 : i32
        %get3A_426 = arith.index_cast %scan3A_165 : i32 to index
        %get3A_427 = arith.constant 16 : index
        %get3A_428 = tpu.vector_load %arg6[%get3A_426, %get3A_427] {strides = array<i32>} : memref<128x200xi32, #tpu.memory_space<vmem>>, vector<16xi32>,
        %sub3A_429 = arith.constant 0 : i32
        %sub3A_430 = vector.broadcast %sub3A_429 : i32 to vector<16xi32>
        %sub3A_431 = arith.subi %sub3A_430, %get3A_428 : vector<16xi32>
        %or3A_432 = arith.ori %get3A_428, %sub3A_431 : vector<16xi32>
        %shift_right_logical3A_433 = arith.constant 31 : i32
        %shift_right_logical3A_434 = vector.broadcast %shift_right_logical3A_433 : i32 to vector<16xi32>
        %shift_right_logical3A_435 = arith.shrui %or3A_432, %shift_right_logical3A_434 : vector<16xi32>
        %broadcast_in_dim3A_436 = arith.constant true
        %broadcast_in_dim3A_437 = vector.broadcast %broadcast_in_dim3A_436 : i1 to vector<16xi1>
        %masked_cumsum3A_438 = tpu.scan <sum>, %shift_right_logical3A_435 masked %broadcast_in_dim3A_437 : vector<16xi32>, vector<16xi1> -> vector<16xi32>
        %add3A_439 = vector.broadcast %add3A_425 : i32 to vector<16xi32>
        %add3A_440 = arith.addi %masked_cumsum3A_438, %add3A_439 : vector<16xi32>
        %mul3A_441 = arith.muli %add3A_440, %shift_right_logical3A_435 : vector<16xi32>
        %swap3A_442 = arith.constant 0 : i32
        %swap3A_443 = arith.index_cast %swap3A_442 : i32 to index
        %swap3A_444 = arith.constant 16 : index
        %swap3A_445 = tpu.vector_load %arg8[%swap3A_443, %swap3A_444] {strides = array<i32>} : memref<2x128xi32, #tpu.memory_space<vmem>>, vector<16xi32>,
        tpu.vector_store %arg8[%swap3A_443, %swap3A_444], %mul3A_441 {strides = array<i32>} : memref<2x128xi32, #tpu.memory_space<vmem>>, vector<16xi32>,
        %reduce_sum3A_446 = arith.constant true
        %reduce_sum3A_447 = vector.broadcast %reduce_sum3A_446 : i1 to vector<16xi1>
        %reduce_sum3A_448 = tpu.scan <sum>, %shift_right_logical3A_435 masked %reduce_sum3A_447 : vector<16xi32>, vector<16xi1> -> vector<16xi32>
        %reduce_sum3A_449 = vector.extract %reduce_sum3A_448[15] : i32 from vector<16xi32>
        %add3A_450 = arith.addi %add3A_425, %reduce_sum3A_449 : i32
        %get3A_451 = arith.index_cast %scan3A_165 : i32 to index
        %get3A_452 = arith.constant 32 : index
        %get3A_453 = tpu.vector_load %arg6[%get3A_451, %get3A_452] {strides = array<i32>} : memref<128x200xi32, #tpu.memory_space<vmem>>, vector<16xi32>,
        %sub3A_454 = arith.constant 0 : i32
        %sub3A_455 = vector.broadcast %sub3A_454 : i32 to vector<16xi32>
        %sub3A_456 = arith.subi %sub3A_455, %get3A_453 : vector<16xi32>
        %or3A_457 = arith.ori %get3A_453, %sub3A_456 : vector<16xi32>
        %shift_right_logical3A_458 = arith.constant 31 : i32
        %shift_right_logical3A_459 = vector.broadcast %shift_right_logical3A_458 : i32 to vector<16xi32>
        %shift_right_logical3A_460 = arith.shrui %or3A_457, %shift_right_logical3A_459 : vector<16xi32>
        %broadcast_in_dim3A_461 = arith.constant true
        %broadcast_in_dim3A_462 = vector.broadcast %broadcast_in_dim3A_461 : i1 to vector<16xi1>
        %masked_cumsum3A_463 = tpu.scan <sum>, %shift_right_logical3A_460 masked %broadcast_in_dim3A_462 : vector<16xi32>, vector<16xi1> -> vector<16xi32>
        %add3A_464 = vector.broadcast %add3A_450 : i32 to vector<16xi32>
        %add3A_465 = arith.addi %masked_cumsum3A_463, %add3A_464 : vector<16xi32>
        %mul3A_466 = arith.muli %add3A_465, %shift_right_logical3A_460 : vector<16xi32>
        %swap3A_467 = arith.constant 0 : i32
        %swap3A_468 = arith.index_cast %swap3A_467 : i32 to index
        %swap3A_469 = arith.constant 32 : index
        %swap3A_470 = tpu.vector_load %arg8[%swap3A_468, %swap3A_469] {strides = array<i32>} : memref<2x128xi32, #tpu.memory_space<vmem>>, vector<16xi32>,
        tpu.vector_store %arg8[%swap3A_468, %swap3A_469], %mul3A_466 {strides = array<i32>} : memref<2x128xi32, #tpu.memory_space<vmem>>, vector<16xi32>,
        %reduce_sum3A_471 = arith.constant true
        %reduce_sum3A_472 = vector.broadcast %reduce_sum3A_471 : i1 to vector<16xi1>
        %reduce_sum3A_473 = tpu.scan <sum>, %shift_right_logical3A_460 masked %reduce_sum3A_472 : vector<16xi32>, vector<16xi1> -> vector<16xi32>
        %reduce_sum3A_474 = vector.extract %reduce_sum3A_473[15] : i32 from vector<16xi32>
        %add3A_475 = arith.addi %add3A_450, %reduce_sum3A_474 : i32
        %get3A_476 = arith.index_cast %scan3A_165 : i32 to index
        %get3A_477 = arith.constant 48 : index
        %get3A_478 = tpu.vector_load %arg6[%get3A_476, %get3A_477] {strides = array<i32>} : memref<128x200xi32, #tpu.memory_space<vmem>>, vector<16xi32>,
        %sub3A_479 = arith.constant 0 : i32
        %sub3A_480 = vector.broadcast %sub3A_479 : i32 to vector<16xi32>
        %sub3A_481 = arith.subi %sub3A_480, %get3A_478 : vector<16xi32>
        %or3A_482 = arith.ori %get3A_478, %sub3A_481 : vector<16xi32>
        %shift_right_logical3A_483 = arith.constant 31 : i32
        %shift_right_logical3A_484 = vector.broadcast %shift_right_logical3A_483 : i32 to vector<16xi32>
        %shift_right_logical3A_485 = arith.shrui %or3A_482, %shift_right_logical3A_484 : vector<16xi32>
        %broadcast_in_dim3A_486 = arith.constant true
        %broadcast_in_dim3A_487 = vector.broadcast %broadcast_in_dim3A_486 : i1 to vector<16xi1>
        %masked_cumsum3A_488 = tpu.scan <sum>, %shift_right_logical3A_485 masked %broadcast_in_dim3A_487 : vector<16xi32>, vector<16xi1> -> vector<16xi32>
        %add3A_489 = vector.broadcast %add3A_475 : i32 to vector<16xi32>
        %add3A_490 = arith.addi %masked_cumsum3A_488, %add3A_489 : vector<16xi32>
        %mul3A_491 = arith.muli %add3A_490, %shift_right_logical3A_485 : vector<16xi32>
        %swap3A_492 = arith.constant 0 : i32
        %swap3A_493 = arith.index_cast %swap3A_492 : i32 to index
        %swap3A_494 = arith.constant 48 : index
        %swap3A_495 = tpu.vector_load %arg8[%swap3A_493, %swap3A_494] {strides = array<i32>} : memref<2x128xi32, #tpu.memory_space<vmem>>, vector<16xi32>,
        tpu.vector_store %arg8[%swap3A_493, %swap3A_494], %mul3A_491 {strides = array<i32>} : memref<2x128xi32, #tpu.memory_space<vmem>>, vector<16xi32>,
        %reduce_sum3A_496 = arith.constant true
        %reduce_sum3A_497 = vector.broadcast %reduce_sum3A_496 : i1 to vector<16xi1>
        %reduce_sum3A_498 = tpu.scan <sum>, %shift_right_logical3A_485 masked %reduce_sum3A_497 : vector<16xi32>, vector<16xi1> -> vector<16xi32>
        %reduce_sum3A_499 = vector.extract %reduce_sum3A_498[15] : i32 from vector<16xi32>
        %add3A_500 = arith.addi %add3A_475, %reduce_sum3A_499 : i32
        %get3A_501 = arith.index_cast %scan3A_165 : i32 to index
        %get3A_502 = arith.constant 64 : index
        %get3A_503 = tpu.vector_load %arg6[%get3A_501, %get3A_502] {strides = array<i32>} : memref<128x200xi32, #tpu.memory_space<vmem>>, vector<16xi32>,
        %sub3A_504 = arith.constant 0 : i32
        %sub3A_505 = vector.broadcast %sub3A_504 : i32 to vector<16xi32>
        %sub3A_506 = arith.subi %sub3A_505, %get3A_503 : vector<16xi32>
        %or3A_507 = arith.ori %get3A_503, %sub3A_506 : vector<16xi32>
        %shift_right_logical3A_508 = arith.constant 31 : i32
        %shift_right_logical3A_509 = vector.broadcast %shift_right_logical3A_508 : i32 to vector<16xi32>
        %shift_right_logical3A_510 = arith.shrui %or3A_507, %shift_right_logical3A_509 : vector<16xi32>
        %broadcast_in_dim3A_511 = arith.constant true
        %broadcast_in_dim3A_512 = vector.broadcast %broadcast_in_dim3A_511 : i1 to vector<16xi1>
        %masked_cumsum3A_513 = tpu.scan <sum>, %shift_right_logical3A_510 masked %broadcast_in_dim3A_512 : vector<16xi32>, vector<16xi1> -> vector<16xi32>
        %add3A_514 = vector.broadcast %add3A_500 : i32 to vector<16xi32>
        %add3A_515 = arith.addi %masked_cumsum3A_513, %add3A_514 : vector<16xi32>
        %mul3A_516 = arith.muli %add3A_515, %shift_right_logical3A_510 : vector<16xi32>
        %swap3A_517 = arith.constant 0 : i32
        %swap3A_518 = arith.index_cast %swap3A_517 : i32 to index
        %swap3A_519 = arith.constant 64 : index
        %swap3A_520 = tpu.vector_load %arg8[%swap3A_518, %swap3A_519] {strides = array<i32>} : memref<2x128xi32, #tpu.memory_space<vmem>>, vector<16xi32>,
        tpu.vector_store %arg8[%swap3A_518, %swap3A_519], %mul3A_516 {strides = array<i32>} : memref<2x128xi32, #tpu.memory_space<vmem>>, vector<16xi32>,
        %reduce_sum3A_521 = arith.constant true
        %reduce_sum3A_522 = vector.broadcast %reduce_sum3A_521 : i1 to vector<16xi1>
        %reduce_sum3A_523 = tpu.scan <sum>, %shift_right_logical3A_510 masked %reduce_sum3A_522 : vector<16xi32>, vector<16xi1> -> vector<16xi32>
        %reduce_sum3A_524 = vector.extract %reduce_sum3A_523[15] : i32 from vector<16xi32>
        %add3A_525 = arith.addi %add3A_500, %reduce_sum3A_524 : i32
        %get3A_526 = arith.index_cast %scan3A_165 : i32 to index
        %get3A_527 = arith.constant 80 : index
        %get3A_528 = tpu.vector_load %arg6[%get3A_526, %get3A_527] {strides = array<i32>} : memref<128x200xi32, #tpu.memory_space<vmem>>, vector<16xi32>,
        %sub3A_529 = arith.constant 0 : i32
        %sub3A_530 = vector.broadcast %sub3A_529 : i32 to vector<16xi32>
        %sub3A_531 = arith.subi %sub3A_530, %get3A_528 : vector<16xi32>
        %or3A_532 = arith.ori %get3A_528, %sub3A_531 : vector<16xi32>
        %shift_right_logical3A_533 = arith.constant 31 : i32
        %shift_right_logical3A_534 = vector.broadcast %shift_right_logical3A_533 : i32 to vector<16xi32>
        %shift_right_logical3A_535 = arith.shrui %or3A_532, %shift_right_logical3A_534 : vector<16xi32>
        %broadcast_in_dim3A_536 = arith.constant true
        %broadcast_in_dim3A_537 = vector.broadcast %broadcast_in_dim3A_536 : i1 to vector<16xi1>
        %masked_cumsum3A_538 = tpu.scan <sum>, %shift_right_logical3A_535 masked %broadcast_in_dim3A_537 : vector<16xi32>, vector<16xi1> -> vector<16xi32>
        %add3A_539 = vector.broadcast %add3A_525 : i32 to vector<16xi32>
        %add3A_540 = arith.addi %masked_cumsum3A_538, %add3A_539 : vector<16xi32>
        %mul3A_541 = arith.muli %add3A_540, %shift_right_logical3A_535 : vector<16xi32>
        %swap3A_542 = arith.constant 0 : i32
        %swap3A_543 = arith.index_cast %swap3A_542 : i32 to index
        %swap3A_544 = arith.constant 80 : index
        %swap3A_545 = tpu.vector_load %arg8[%swap3A_543, %swap3A_544] {strides = array<i32>} : memref<2x128xi32, #tpu.memory_space<vmem>>, vector<16xi32>,
        tpu.vector_store %arg8[%swap3A_543, %swap3A_544], %mul3A_541 {strides = array<i32>} : memref<2x128xi32, #tpu.memory_space<vmem>>, vector<16xi32>,
        %reduce_sum3A_546 = arith.constant true
        %reduce_sum3A_547 = vector.broadcast %reduce_sum3A_546 : i1 to vector<16xi1>
        %reduce_sum3A_548 = tpu.scan <sum>, %shift_right_logical3A_535 masked %reduce_sum3A_547 : vector<16xi32>, vector<16xi1> -> vector<16xi32>
        %reduce_sum3A_549 = vector.extract %reduce_sum3A_548[15] : i32 from vector<16xi32>
        %add3A_550 = arith.addi %add3A_525, %reduce_sum3A_549 : i32
        %get3A_551 = arith.index_cast %scan3A_165 : i32 to index
        %get3A_552 = arith.constant 96 : index
        %get3A_553 = tpu.vector_load %arg6[%get3A_551, %get3A_552] {strides = array<i32>} : memref<128x200xi32, #tpu.memory_space<vmem>>, vector<16xi32>,
        %sub3A_554 = arith.constant 0 : i32
        %sub3A_555 = vector.broadcast %sub3A_554 : i32 to vector<16xi32>
        %sub3A_556 = arith.subi %sub3A_555, %get3A_553 : vector<16xi32>
        %or3A_557 = arith.ori %get3A_553, %sub3A_556 : vector<16xi32>
        %shift_right_logical3A_558 = arith.constant 31 : i32
        %shift_right_logical3A_559 = vector.broadcast %shift_right_logical3A_558 : i32 to vector<16xi32>
        %shift_right_logical3A_560 = arith.shrui %or3A_557, %shift_right_logical3A_559 : vector<16xi32>
        %broadcast_in_dim3A_561 = arith.constant true
        %broadcast_in_dim3A_562 = vector.broadcast %broadcast_in_dim3A_561 : i1 to vector<16xi1>
        %masked_cumsum3A_563 = tpu.scan <sum>, %shift_right_logical3A_560 masked %broadcast_in_dim3A_562 : vector<16xi32>, vector<16xi1> -> vector<16xi32>
        %add3A_564 = vector.broadcast %add3A_550 : i32 to vector<16xi32>
        %add3A_565 = arith.addi %masked_cumsum3A_563, %add3A_564 : vector<16xi32>
        %mul3A_566 = arith.muli %add3A_565, %shift_right_logical3A_560 : vector<16xi32>
        %swap3A_567 = arith.constant 0 : i32
        %swap3A_568 = arith.index_cast %swap3A_567 : i32 to index
        %swap3A_569 = arith.constant 96 : index
        %swap3A_570 = tpu.vector_load %arg8[%swap3A_568, %swap3A_569] {strides = array<i32>} : memref<2x128xi32, #tpu.memory_space<vmem>>, vector<16xi32>,
        tpu.vector_store %arg8[%swap3A_568, %swap3A_569], %mul3A_566 {strides = array<i32>} : memref<2x128xi32, #tpu.memory_space<vmem>>, vector<16xi32>,
        %reduce_sum3A_571 = arith.constant true
        %reduce_sum3A_572 = vector.broadcast %reduce_sum3A_571 : i1 to vector<16xi1>
        %reduce_sum3A_573 = tpu.scan <sum>, %shift_right_logical3A_560 masked %reduce_sum3A_572 : vector<16xi32>, vector<16xi1> -> vector<16xi32>
        %reduce_sum3A_574 = vector.extract %reduce_sum3A_573[15] : i32 from vector<16xi32>
        %add3A_575 = arith.addi %add3A_550, %reduce_sum3A_574 : i32
        %get3A_576 = arith.index_cast %scan3A_165 : i32 to index
        %get3A_577 = arith.constant 112 : index
        %get3A_578 = tpu.vector_load %arg6[%get3A_576, %get3A_577] {strides = array<i32>} : memref<128x200xi32, #tpu.memory_space<vmem>>, vector<16xi32>,
        %sub3A_579 = arith.constant 0 : i32
        %sub3A_580 = vector.broadcast %sub3A_579 : i32 to vector<16xi32>
        %sub3A_581 = arith.subi %sub3A_580, %get3A_578 : vector<16xi32>
        %or3A_582 = arith.ori %get3A_578, %sub3A_581 : vector<16xi32>
        %shift_right_logical3A_583 = arith.constant 31 : i32
        %shift_right_logical3A_584 = vector.broadcast %shift_right_logical3A_583 : i32 to vector<16xi32>
        %shift_right_logical3A_585 = arith.shrui %or3A_582, %shift_right_logical3A_584 : vector<16xi32>
        %broadcast_in_dim3A_586 = arith.constant true
        %broadcast_in_dim3A_587 = vector.broadcast %broadcast_in_dim3A_586 : i1 to vector<16xi1>
        %masked_cumsum3A_588 = tpu.scan <sum>, %shift_right_logical3A_585 masked %broadcast_in_dim3A_587 : vector<16xi32>, vector<16xi1> -> vector<16xi32>
        %add3A_589 = vector.broadcast %add3A_575 : i32 to vector<16xi32>
        %add3A_590 = arith.addi %masked_cumsum3A_588, %add3A_589 : vector<16xi32>
        %mul3A_591 = arith.muli %add3A_590, %shift_right_logical3A_585 : vector<16xi32>
        %swap3A_592 = arith.constant 0 : i32
        %swap3A_593 = arith.index_cast %swap3A_592 : i32 to index
        %swap3A_594 = arith.constant 112 : index
        %swap3A_595 = tpu.vector_load %arg8[%swap3A_593, %swap3A_594] {strides = array<i32>} : memref<2x128xi32, #tpu.memory_space<vmem>>, vector<16xi32>,
        tpu.vector_store %arg8[%swap3A_593, %swap3A_594], %mul3A_591 {strides = array<i32>} : memref<2x128xi32, #tpu.memory_space<vmem>>, vector<16xi32>,
        %reduce_sum3A_596 = arith.constant true
        %reduce_sum3A_597 = vector.broadcast %reduce_sum3A_596 : i1 to vector<16xi1>
        %reduce_sum3A_598 = tpu.scan <sum>, %shift_right_logical3A_585 masked %reduce_sum3A_597 : vector<16xi32>, vector<16xi1> -> vector<16xi32>
        %reduce_sum3A_599 = vector.extract %reduce_sum3A_598[15] : i32 from vector<16xi32>
        %add3A_600 = arith.addi %add3A_575, %reduce_sum3A_599 : i32
        %get3A_601 = arith.index_cast %scan3A_165 : i32 to index
        %get3A_602 = arith.constant 128 : index
        %get3A_603 = tpu.vector_load %arg6[%get3A_601, %get3A_602] {strides = array<i32>} : memref<128x200xi32, #tpu.memory_space<vmem>>, vector<16xi32>,
        %sub3A_604 = arith.constant 0 : i32
        %sub3A_605 = vector.broadcast %sub3A_604 : i32 to vector<16xi32>
        %sub3A_606 = arith.subi %sub3A_605, %get3A_603 : vector<16xi32>
        %or3A_607 = arith.ori %get3A_603, %sub3A_606 : vector<16xi32>
        %shift_right_logical3A_608 = arith.constant 31 : i32
        %shift_right_logical3A_609 = vector.broadcast %shift_right_logical3A_608 : i32 to vector<16xi32>
        %shift_right_logical3A_610 = arith.shrui %or3A_607, %shift_right_logical3A_609 : vector<16xi32>
        %broadcast_in_dim3A_611 = arith.constant true
        %broadcast_in_dim3A_612 = vector.broadcast %broadcast_in_dim3A_611 : i1 to vector<16xi1>
        %masked_cumsum3A_613 = tpu.scan <sum>, %shift_right_logical3A_610 masked %broadcast_in_dim3A_612 : vector<16xi32>, vector<16xi1> -> vector<16xi32>
        %add3A_614 = vector.broadcast %add3A_600 : i32 to vector<16xi32>
        %add3A_615 = arith.addi %masked_cumsum3A_613, %add3A_614 : vector<16xi32>
        %mul3A_616 = arith.muli %add3A_615, %shift_right_logical3A_610 : vector<16xi32>
        %swap3A_617 = arith.constant 1 : i32
        %swap3A_618 = arith.index_cast %swap3A_617 : i32 to index
        %swap3A_619 = arith.constant 0 : index
        %swap3A_620 = tpu.vector_load %arg8[%swap3A_618, %swap3A_619] {strides = array<i32>} : memref<2x128xi32, #tpu.memory_space<vmem>>, vector<16xi32>,
        tpu.vector_store %arg8[%swap3A_618, %swap3A_619], %mul3A_616 {strides = array<i32>} : memref<2x128xi32, #tpu.memory_space<vmem>>, vector<16xi32>,
        %reduce_sum3A_621 = arith.constant true
        %reduce_sum3A_622 = vector.broadcast %reduce_sum3A_621 : i1 to vector<16xi1>
        %reduce_sum3A_623 = tpu.scan <sum>, %shift_right_logical3A_610 masked %reduce_sum3A_622 : vector<16xi32>, vector<16xi1> -> vector<16xi32>
        %reduce_sum3A_624 = vector.extract %reduce_sum3A_623[15] : i32 from vector<16xi32>
        %add3A_625 = arith.addi %add3A_600, %reduce_sum3A_624 : i32
        %get3A_626 = arith.index_cast %scan3A_165 : i32 to index
        %get3A_627 = arith.constant 144 : index
        %get3A_628 = tpu.vector_load %arg6[%get3A_626, %get3A_627] {strides = array<i32>} : memref<128x200xi32, #tpu.memory_space<vmem>>, vector<16xi32>,
        %sub3A_629 = arith.constant 0 : i32
        %sub3A_630 = vector.broadcast %sub3A_629 : i32 to vector<16xi32>
        %sub3A_631 = arith.subi %sub3A_630, %get3A_628 : vector<16xi32>
        %or3A_632 = arith.ori %get3A_628, %sub3A_631 : vector<16xi32>
        %shift_right_logical3A_633 = arith.constant 31 : i32
        %shift_right_logical3A_634 = vector.broadcast %shift_right_logical3A_633 : i32 to vector<16xi32>
        %shift_right_logical3A_635 = arith.shrui %or3A_632, %shift_right_logical3A_634 : vector<16xi32>
        %broadcast_in_dim3A_636 = arith.constant true
        %broadcast_in_dim3A_637 = vector.broadcast %broadcast_in_dim3A_636 : i1 to vector<16xi1>
        %masked_cumsum3A_638 = tpu.scan <sum>, %shift_right_logical3A_635 masked %broadcast_in_dim3A_637 : vector<16xi32>, vector<16xi1> -> vector<16xi32>
        %add3A_639 = vector.broadcast %add3A_625 : i32 to vector<16xi32>
        %add3A_640 = arith.addi %masked_cumsum3A_638, %add3A_639 : vector<16xi32>
        %mul3A_641 = arith.muli %add3A_640, %shift_right_logical3A_635 : vector<16xi32>
        %swap3A_642 = arith.constant 1 : i32
        %swap3A_643 = arith.index_cast %swap3A_642 : i32 to index
        %swap3A_644 = arith.constant 16 : index
        %swap3A_645 = tpu.vector_load %arg8[%swap3A_643, %swap3A_644] {strides = array<i32>} : memref<2x128xi32, #tpu.memory_space<vmem>>, vector<16xi32>,
        tpu.vector_store %arg8[%swap3A_643, %swap3A_644], %mul3A_641 {strides = array<i32>} : memref<2x128xi32, #tpu.memory_space<vmem>>, vector<16xi32>,
        %reduce_sum3A_646 = arith.constant true
        %reduce_sum3A_647 = vector.broadcast %reduce_sum3A_646 : i1 to vector<16xi1>
        %reduce_sum3A_648 = tpu.scan <sum>, %shift_right_logical3A_635 masked %reduce_sum3A_647 : vector<16xi32>, vector<16xi1> -> vector<16xi32>
        %reduce_sum3A_649 = vector.extract %reduce_sum3A_648[15] : i32 from vector<16xi32>
        %add3A_650 = arith.addi %add3A_625, %reduce_sum3A_649 : i32
        %get3A_651 = arith.index_cast %scan3A_165 : i32 to index
        %get3A_652 = arith.constant 160 : index
        %get3A_653 = tpu.vector_load %arg6[%get3A_651, %get3A_652] {strides = array<i32>} : memref<128x200xi32, #tpu.memory_space<vmem>>, vector<16xi32>,
        %sub3A_654 = arith.constant 0 : i32
        %sub3A_655 = vector.broadcast %sub3A_654 : i32 to vector<16xi32>
        %sub3A_656 = arith.subi %sub3A_655, %get3A_653 : vector<16xi32>
        %or3A_657 = arith.ori %get3A_653, %sub3A_656 : vector<16xi32>
        %shift_right_logical3A_658 = arith.constant 31 : i32
        %shift_right_logical3A_659 = vector.broadcast %shift_right_logical3A_658 : i32 to vector<16xi32>
        %shift_right_logical3A_660 = arith.shrui %or3A_657, %shift_right_logical3A_659 : vector<16xi32>
        %broadcast_in_dim3A_661 = arith.constant true
        %broadcast_in_dim3A_662 = vector.broadcast %broadcast_in_dim3A_661 : i1 to vector<16xi1>
        %masked_cumsum3A_663 = tpu.scan <sum>, %shift_right_logical3A_660 masked %broadcast_in_dim3A_662 : vector<16xi32>, vector<16xi1> -> vector<16xi32>
        %add3A_664 = vector.broadcast %add3A_650 : i32 to vector<16xi32>
        %add3A_665 = arith.addi %masked_cumsum3A_663, %add3A_664 : vector<16xi32>
        %mul3A_666 = arith.muli %add3A_665, %shift_right_logical3A_660 : vector<16xi32>
        %swap3A_667 = arith.constant 1 : i32
        %swap3A_668 = arith.index_cast %swap3A_667 : i32 to index
        %swap3A_669 = arith.constant 32 : index
        %swap3A_670 = tpu.vector_load %arg8[%swap3A_668, %swap3A_669] {strides = array<i32>} : memref<2x128xi32, #tpu.memory_space<vmem>>, vector<16xi32>,
        tpu.vector_store %arg8[%swap3A_668, %swap3A_669], %mul3A_666 {strides = array<i32>} : memref<2x128xi32, #tpu.memory_space<vmem>>, vector<16xi32>,
        %reduce_sum3A_671 = arith.constant true
        %reduce_sum3A_672 = vector.broadcast %reduce_sum3A_671 : i1 to vector<16xi1>
        %reduce_sum3A_673 = tpu.scan <sum>, %shift_right_logical3A_660 masked %reduce_sum3A_672 : vector<16xi32>, vector<16xi1> -> vector<16xi32>
        %reduce_sum3A_674 = vector.extract %reduce_sum3A_673[15] : i32 from vector<16xi32>
        %add3A_675 = arith.addi %add3A_650, %reduce_sum3A_674 : i32
        %get3A_676 = arith.index_cast %scan3A_165 : i32 to index
        %get3A_677 = arith.constant 176 : index
        %get3A_678 = tpu.vector_load %arg6[%get3A_676, %get3A_677] {strides = array<i32>} : memref<128x200xi32, #tpu.memory_space<vmem>>, vector<16xi32>,
        %sub3A_679 = arith.constant 0 : i32
        %sub3A_680 = vector.broadcast %sub3A_679 : i32 to vector<16xi32>
        %sub3A_681 = arith.subi %sub3A_680, %get3A_678 : vector<16xi32>
        %or3A_682 = arith.ori %get3A_678, %sub3A_681 : vector<16xi32>
        %shift_right_logical3A_683 = arith.constant 31 : i32
        %shift_right_logical3A_684 = vector.broadcast %shift_right_logical3A_683 : i32 to vector<16xi32>
        %shift_right_logical3A_685 = arith.shrui %or3A_682, %shift_right_logical3A_684 : vector<16xi32>
        %broadcast_in_dim3A_686 = arith.constant true
        %broadcast_in_dim3A_687 = vector.broadcast %broadcast_in_dim3A_686 : i1 to vector<16xi1>
        %masked_cumsum3A_688 = tpu.scan <sum>, %shift_right_logical3A_685 masked %broadcast_in_dim3A_687 : vector<16xi32>, vector<16xi1> -> vector<16xi32>
        %add3A_689 = vector.broadcast %add3A_675 : i32 to vector<16xi32>
        %add3A_690 = arith.addi %masked_cumsum3A_688, %add3A_689 : vector<16xi32>
        %mul3A_691 = arith.muli %add3A_690, %shift_right_logical3A_685 : vector<16xi32>
        %swap3A_692 = arith.constant 1 : i32
        %swap3A_693 = arith.index_cast %swap3A_692 : i32 to index
        %swap3A_694 = arith.constant 48 : index
        %swap3A_695 = tpu.vector_load %arg8[%swap3A_693, %swap3A_694] {strides = array<i32>} : memref<2x128xi32, #tpu.memory_space<vmem>>, vector<16xi32>,
        tpu.vector_store %arg8[%swap3A_693, %swap3A_694], %mul3A_691 {strides = array<i32>} : memref<2x128xi32, #tpu.memory_space<vmem>>, vector<16xi32>,
        %iota3A_696 = tpu.iota {dimensions = array<i32: 0>} : vector<16xi32>
        %sub3A_697 = arith.constant 8 : i32
        %sub3A_698 = vector.broadcast %sub3A_697 : i32 to vector<16xi32>
        %sub3A_699 = arith.subi %iota3A_696, %sub3A_698 : vector<16xi32>
        %shift_right_logical3A_700 = arith.constant 31 : i32
        %shift_right_logical3A_701 = vector.broadcast %shift_right_logical3A_700 : i32 to vector<16xi32>
        %shift_right_logical3A_702 = arith.shrui %sub3A_699, %shift_right_logical3A_701 : vector<16xi32>
        %mul3A_703 = arith.muli %shift_right_logical3A_685, %shift_right_logical3A_702 : vector<16xi32>
        %reduce_sum3A_704 = arith.constant true
        %reduce_sum3A_705 = vector.broadcast %reduce_sum3A_704 : i1 to vector<16xi1>
        %reduce_sum3A_706 = tpu.scan <sum>, %mul3A_703 masked %reduce_sum3A_705 : vector<16xi32>, vector<16xi1> -> vector<16xi32>
        %reduce_sum3A_707 = vector.extract %reduce_sum3A_706[15] : i32 from vector<16xi32>
        %add3A_708 = arith.addi %add3A_675, %reduce_sum3A_707 : i32
        %get3A_709 = arith.index_cast %scan3A_165 : i32 to index
        %get3A_710 = arith.constant 184 : index
        %get3A_711 = tpu.vector_load %arg6[%get3A_709, %get3A_710] {strides = array<i32>} : memref<128x200xi32, #tpu.memory_space<vmem>>, vector<16xi32>,
        %sub3A_712 = arith.constant 0 : i32
        %sub3A_713 = vector.broadcast %sub3A_712 : i32 to vector<16xi32>
        %sub3A_714 = arith.subi %sub3A_713, %get3A_711 : vector<16xi32>
        %or3A_715 = arith.ori %get3A_711, %sub3A_714 : vector<16xi32>
        %shift_right_logical3A_716 = arith.constant 31 : i32
        %shift_right_logical3A_717 = vector.broadcast %shift_right_logical3A_716 : i32 to vector<16xi32>
        %shift_right_logical3A_718 = arith.shrui %or3A_715, %shift_right_logical3A_717 : vector<16xi32>
        %broadcast_in_dim3A_719 = arith.constant true
        %broadcast_in_dim3A_720 = vector.broadcast %broadcast_in_dim3A_719 : i1 to vector<16xi1>
        %masked_cumsum3A_721 = tpu.scan <sum>, %shift_right_logical3A_718 masked %broadcast_in_dim3A_720 : vector<16xi32>, vector<16xi1> -> vector<16xi32>
        %add3A_722 = vector.broadcast %add3A_708 : i32 to vector<16xi32>
        %add3A_723 = arith.addi %masked_cumsum3A_721, %add3A_722 : vector<16xi32>
        %mul3A_724 = arith.muli %add3A_723, %shift_right_logical3A_718 : vector<16xi32>
        %swap3A_725 = arith.constant 1 : i32
        %swap3A_726 = arith.index_cast %swap3A_725 : i32 to index
        %swap3A_727 = arith.constant 56 : index
        %swap3A_728 = tpu.vector_load %arg8[%swap3A_726, %swap3A_727] {strides = array<i32>} : memref<2x128xi32, #tpu.memory_space<vmem>>, vector<16xi32>,
        tpu.vector_store %arg8[%swap3A_726, %swap3A_727], %mul3A_724 {strides = array<i32>} : memref<2x128xi32, #tpu.memory_space<vmem>>, vector<16xi32>,
        %dma_start3A_729 = arith.constant 0 : i32
        %dma_start3A_730 = arith.constant 0 : i32
        %dma_start3A_731 = arith.constant 0 : i32
        %dma_start3A_732 = tpu.memref_slice %arg9[%dma_start3A_730, %dma_start3A_731] : memref<200x128xf32, #tpu.memory_space<vmem>> -> memref<128x128xf32, #tpu.memory_space<vmem>>
        %dma_start3A_733 = arith.constant 0 : i32
        %dma_start3A_734 = tpu.memref_slice %arg8[%dma_start3A_729, %dma_start3A_733] : memref<2x128xi32, #tpu.memory_space<vmem>> -> memref<1x128xi32, #tpu.memory_space<vmem>>
        %dma_start3A_735 = tpu.memref_squeeze %dma_start3A_734 : memref<1x128xi32, #tpu.memory_space<vmem>> -> memref<128xi32, #tpu.memory_space<vmem>>
        %dma_start3A_736 = arith.constant 0 : i32
        %dma_start3A_737 = arith.constant 0 : i32
        %dma_start3A_738 = tpu.memref_slice %arg5[%dma_start3A_736, %dma_start3A_737] : memref<256x128xf32, #tpu.memory_space<vmem_shared>> -> memref<256x128xf32, #tpu.memory_space<vmem_shared>>
        tpu.enqueue_indirect_dma source(%dma_start3A_738 : memref<256x128xf32, #tpu.memory_space<vmem_shared>>) target(%dma_start3A_732 : memref<128x128xf32, #tpu.memory_space<vmem>>) offsets(%dma_start3A_735 : memref<128xi32, #tpu.memory_space<vmem>>) semaphore(%arg11 : memref<!tpu.dma_semaphore, #tpu.memory_space<semaphore_mem>>)
        %dma_start3A_739 = arith.constant 1 : i32
        %dma_start3A_740 = arith.constant 128 : i32
        %dma_start3A_741 = arith.constant 0 : i32
        %dma_start3A_742 = tpu.memref_slice %arg9[%dma_start3A_740, %dma_start3A_741] : memref<200x128xf32, #tpu.memory_space<vmem>> -> memref<72x128xf32, #tpu.memory_space<vmem>>
        %dma_start3A_743 = arith.constant 0 : i32
        %dma_start3A_744 = tpu.memref_slice %arg8[%dma_start3A_739, %dma_start3A_743] : memref<2x128xi32, #tpu.memory_space<vmem>> -> memref<1x72xi32, #tpu.memory_space<vmem>>
        %dma_start3A_745 = tpu.memref_squeeze %dma_start3A_744 : memref<1x72xi32, #tpu.memory_space<vmem>> -> memref<72xi32, #tpu.memory_space<vmem>>
        %dma_start3A_746 = arith.constant 0 : i32
        %dma_start3A_747 = arith.constant 0 : i32
        %dma_start3A_748 = tpu.memref_slice %arg5[%dma_start3A_746, %dma_start3A_747] : memref<256x128xf32, #tpu.memory_space<vmem_shared>> -> memref<256x128xf32, #tpu.memory_space<vmem_shared>>
        tpu.enqueue_indirect_dma source(%dma_start3A_748 : memref<256x128xf32, #tpu.memory_space<vmem_shared>>) target(%dma_start3A_742 : memref<72x128xf32, #tpu.memory_space<vmem>>) offsets(%dma_start3A_745 : memref<72xi32, #tpu.memory_space<vmem>>) semaphore(%arg11 : memref<!tpu.dma_semaphore, #tpu.memory_space<semaphore_mem>>)
      } else {
      }
      %add3A_388 = arith.constant 1 : i32
      %add3A_389 = arith.addi %scan3A_166, %add3A_388 : i32
      %min3A = arith.constant 12 : i32
      %min3A_390 = arith.minsi %add3A_389, %min3A : i32
      %select_n3A = arith.select %eq3A_375, %min3A_390, %scan3A_166 : i32
      %jit3A = arith.constant 0 : i32
      %select_n3A_391 = arith.select %eq3A_375, %max3A, %jit3A : i32
      %jit3A_392 = arith.constant 0 : i32
      %jit3A_393 = arith.constant 1 : i32
      %select_n3A_394 = arith.select %eq3A_375, %jit3A_392, %jit3A_393 : i32
      %select_n3A_395 = arith.select %eq3A_375, %scan3A_169, %scan3A_165 : i32
      scf.yield %select_n3A, %select_n3A_391, %select_n3A_394, %select_n3A_395 : i32, i32, i32, i32
    }
    %scan3A_141 = arith.constant 128 : i32
    %eq3A_142 = arith.constant 1 : i32
    %eq3A_143 = arith.cmpi eq, %scan3A_140#2, %eq3A_142 : i32
    %convert_element_type3A_144 = arith.extui %eq3A_143 : i1 to i32
    %cond3A_145 = arith.constant 0 : i32
    %cond3A_146 = arith.cmpi ne, %convert_element_type3A_144, %cond3A_145 : i32
    scf.if %cond3A_146 {
      %dma_wait3A_165 = arith.constant 0 : i32
      %dma_wait3A_166 = arith.constant 0 : i32
      %dma_wait3A_167 = arith.constant 0 : i32
      %dma_wait3A_168 = tpu.memref_slice %arg9[%dma_wait3A_166, %dma_wait3A_167] : memref<200x128xf32, #tpu.memory_space<vmem>> -> memref<128x128xf32, #tpu.memory_space<vmem>>
      %dma_wait3A_169 = arith.constant 0 : i32
      %dma_wait3A_170 = tpu.memref_slice %arg8[%dma_wait3A_165, %dma_wait3A_169] : memref<2x128xi32, #tpu.memory_space<vmem>> -> memref<1x128xi32, #tpu.memory_space<vmem>>
      %dma_wait3A_171 = tpu.memref_squeeze %dma_wait3A_170 : memref<1x128xi32, #tpu.memory_space<vmem>> -> memref<128xi32, #tpu.memory_space<vmem>>
      %dma_wait3A_172 = arith.constant 0 : i32
      %dma_wait3A_173 = arith.constant 0 : i32
      %dma_wait3A_174 = tpu.memref_slice %arg5[%dma_wait3A_172, %dma_wait3A_173] : memref<256x128xf32, #tpu.memory_space<vmem_shared>> -> memref<256x128xf32, #tpu.memory_space<vmem_shared>>
      tpu.wait_indirect_dma semaphore(%arg11 : memref<!tpu.dma_semaphore, #tpu.memory_space<semaphore_mem>>) src(%dma_wait3A_174 : memref<256x128xf32, #tpu.memory_space<vmem_shared>>) dst(%dma_wait3A_168 : memref<128x128xf32, #tpu.memory_space<vmem>>)
      %dma_wait3A_175 = arith.constant 1 : i32
      %dma_wait3A_176 = arith.constant 128 : i32
      %dma_wait3A_177 = arith.constant 0 : i32
      %dma_wait3A_178 = tpu.memref_slice %arg9[%dma_wait3A_176, %dma_wait3A_177] : memref<200x128xf32, #tpu.memory_space<vmem>> -> memref<72x128xf32, #tpu.memory_space<vmem>>
      %dma_wait3A_179 = arith.constant 0 : i32
      %dma_wait3A_180 = tpu.memref_slice %arg8[%dma_wait3A_175, %dma_wait3A_179] : memref<2x128xi32, #tpu.memory_space<vmem>> -> memref<1x72xi32, #tpu.memory_space<vmem>>
      %dma_wait3A_181 = tpu.memref_squeeze %dma_wait3A_180 : memref<1x72xi32, #tpu.memory_space<vmem>> -> memref<72xi32, #tpu.memory_space<vmem>>
      %dma_wait3A_182 = arith.constant 0 : i32
      %dma_wait3A_183 = arith.constant 0 : i32
      %dma_wait3A_184 = tpu.memref_slice %arg5[%dma_wait3A_182, %dma_wait3A_183] : memref<256x128xf32, #tpu.memory_space<vmem_shared>> -> memref<256x128xf32, #tpu.memory_space<vmem_shared>>
      tpu.wait_indirect_dma semaphore(%arg11 : memref<!tpu.dma_semaphore, #tpu.memory_space<semaphore_mem>>) src(%dma_wait3A_184 : memref<256x128xf32, #tpu.memory_space<vmem_shared>>) dst(%dma_wait3A_178 : memref<72x128xf32, #tpu.memory_space<vmem>>)
      %add3A_185 = arith.addi %mul3A_2, %scan3A_140#3 : i32
      %dma_start3A_186 = arith.constant 0 : i32
      %dma_start3A_187 = arith.constant 0 : i32
      %dma_start3A_188 = tpu.memref_slice %arg4[%add3A_185, %dma_start3A_186, %dma_start3A_187] : memref<4096x200x128xf32, #tpu.memory_space<hbm>> -> memref<1x200x128xf32, #tpu.memory_space<hbm>>
      %dma_start3A_189 = tpu.memref_squeeze %dma_start3A_188 : memref<1x200x128xf32, #tpu.memory_space<hbm>> -> memref<200x128xf32, #tpu.memory_space<hbm>>
      %dma_start3A_190 = arith.constant 0 : i32
      %dma_start3A_191 = arith.constant 0 : i32
      %dma_start3A_192 = tpu.memref_slice %arg4[%add3A_185, %dma_start3A_190, %dma_start3A_191] : memref<4096x200x128xf32, #tpu.memory_space<hbm>> -> memref<1x200x128xf32, #tpu.memory_space<hbm>>
      %dma_start3A_193 = tpu.memref_squeeze %dma_start3A_192 : memref<1x200x128xf32, #tpu.memory_space<hbm>> -> memref<200x128xf32, #tpu.memory_space<hbm>>
      tpu.enqueue_dma source(%arg9 : memref<200x128xf32, #tpu.memory_space<vmem>>) target(%dma_start3A_193 : memref<200x128xf32, #tpu.memory_space<hbm>>) target_semaphore(%arg12 : memref<!tpu.dma_semaphore, #tpu.memory_space<semaphore_mem>>)
      %add3A_194 = arith.addi %mul3A_2, %scan3A_140#3 : i32
      %dma_wait3A_195 = arith.constant 0 : i32
      %dma_wait3A_196 = arith.constant 0 : i32
      %dma_wait3A_197 = tpu.memref_slice %arg4[%add3A_194, %dma_wait3A_195, %dma_wait3A_196] : memref<4096x200x128xf32, #tpu.memory_space<hbm>> -> memref<1x200x128xf32, #tpu.memory_space<hbm>>
      %dma_wait3A_198 = tpu.memref_squeeze %dma_wait3A_197 : memref<1x200x128xf32, #tpu.memory_space<hbm>> -> memref<200x128xf32, #tpu.memory_space<hbm>>
      %dma_wait3A_199 = arith.constant 0 : i32
      %dma_wait3A_200 = arith.constant 0 : i32
      %dma_wait3A_201 = tpu.memref_slice %arg4[%add3A_194, %dma_wait3A_199, %dma_wait3A_200] : memref<4096x200x128xf32, #tpu.memory_space<hbm>> -> memref<1x200x128xf32, #tpu.memory_space<hbm>>
      %dma_wait3A_202 = tpu.memref_squeeze %dma_wait3A_201 : memref<1x200x128xf32, #tpu.memory_space<hbm>> -> memref<200x128xf32, #tpu.memory_space<hbm>>
      tpu.wait_dma2 semaphore(%arg12 : memref<!tpu.dma_semaphore, #tpu.memory_space<semaphore_mem>>) src(%arg9 : memref<200x128xf32, #tpu.memory_space<vmem>>) dst(%dma_wait3A_202 : memref<200x128xf32, #tpu.memory_space<hbm>>)
    } else {
    }
    %eq3A_147 = arith.constant 0 : i32
    %eq3A_148 = arith.cmpi eq, %scan3A_140#2, %eq3A_147 : i32
    %eq3A_149 = arith.constant 1 : i32
    %eq3A_150 = arith.cmpi eq, %scan3A_140#1, %eq3A_149 : i32
    %and3A = arith.andi %eq3A_148, %eq3A_150 : i1
    %convert_element_type3A_151 = arith.extui %and3A : i1 to i32
    %cond3A_152 = arith.constant 0 : i32
    %cond3A_153 = arith.cmpi ne, %convert_element_type3A_151, %cond3A_152 : i32
    scf.if %cond3A_153 {
      %dma_wait3A_165 = arith.constant 0 : i32
      %dma_wait3A_166 = arith.constant 0 : i32
      %dma_wait3A_167 = tpu.memref_slice %arg4[%mul3A_2, %dma_wait3A_165, %dma_wait3A_166] : memref<4096x200x128xf32, #tpu.memory_space<hbm>> -> memref<1x200x128xf32, #tpu.memory_space<hbm>>
      %dma_wait3A_168 = tpu.memref_squeeze %dma_wait3A_167 : memref<1x200x128xf32, #tpu.memory_space<hbm>> -> memref<200x128xf32, #tpu.memory_space<hbm>>
      %dma_wait3A_169 = arith.constant 0 : i32
      %dma_wait3A_170 = arith.constant 0 : i32
      %dma_wait3A_171 = tpu.memref_slice %arg4[%mul3A_2, %dma_wait3A_169, %dma_wait3A_170] : memref<4096x200x128xf32, #tpu.memory_space<hbm>> -> memref<1x200x128xf32, #tpu.memory_space<hbm>>
      %dma_wait3A_172 = tpu.memref_squeeze %dma_wait3A_171 : memref<1x200x128xf32, #tpu.memory_space<hbm>> -> memref<200x128xf32, #tpu.memory_space<hbm>>
      tpu.wait_dma2 semaphore(%arg12 : memref<!tpu.dma_semaphore, #tpu.memory_space<semaphore_mem>>) src(%arg9 : memref<200x128xf32, #tpu.memory_space<vmem>>) dst(%dma_wait3A_172 : memref<200x128xf32, #tpu.memory_space<hbm>>)
    } else {
    }
    %while3A = arith.constant 0 : i32
    %while3A_154 = arith.constant 0 : i32
    %while3A_155 = arith.subi %scan3A_140#0, %while3A : i32
    %while3A_156 = arith.addi %while3A, %while3A_155 : i32
    %while3A_157 = arith.constant 1 : i32
    %while3A_158 = arith.divsi %while3A_155, %while3A_157 : i32
    %while3A_159 = arith.muli %while3A_158, %while3A_157 : i32
    %while3A_160 = arith.addi %while3A, %while3A_159 : i32
    %while3A_161 = arith.constant 1 : i32
    %while3A_162 = scf.for %while3A_165 = %while3A to %while3A_160 step %while3A_161 iter_args(%while3A_166 = %while3A_154) -> (i32)  : i32 {
      %dma_wait3A_167 = arith.constant 0 : i32
      %dma_wait3A_168 = arith.constant 0 : i32
      %dma_wait3A_169 = tpu.memref_slice %arg4[%mul3A_2, %dma_wait3A_167, %dma_wait3A_168] : memref<4096x200x128xf32, #tpu.memory_space<hbm>> -> memref<1x200x128xf32, #tpu.memory_space<hbm>>
      %dma_wait3A_170 = tpu.memref_squeeze %dma_wait3A_169 : memref<1x200x128xf32, #tpu.memory_space<hbm>> -> memref<200x128xf32, #tpu.memory_space<hbm>>
      %dma_wait3A_171 = arith.constant 0 : i32
      %dma_wait3A_172 = arith.constant 0 : i32
      %dma_wait3A_173 = tpu.memref_slice %arg4[%mul3A_2, %dma_wait3A_171, %dma_wait3A_172] : memref<4096x200x128xf32, #tpu.memory_space<hbm>> -> memref<1x200x128xf32, #tpu.memory_space<hbm>>
      %dma_wait3A_174 = tpu.memref_squeeze %dma_wait3A_173 : memref<1x200x128xf32, #tpu.memory_space<hbm>> -> memref<200x128xf32, #tpu.memory_space<hbm>>
      tpu.wait_dma2 semaphore(%arg10 : memref<!tpu.dma_semaphore, #tpu.memory_space<semaphore_mem>>) src(%arg7 : memref<200x128xf32, #tpu.memory_space<vmem>>) dst(%dma_wait3A_174 : memref<200x128xf32, #tpu.memory_space<hbm>>)
      %while3A_175 = arith.constant 0 : i32
      scf.yield %while3A_175 : i32
    }
    %while3A_163 = arith.constant 1 : i32
    %while3A_164 = scf.for %while3A_165 = %while3A_160 to %while3A_156 step %while3A_163 iter_args(%while3A_166 = %while3A_162) -> (i32)  : i32 {
      %dma_wait3A_167 = arith.constant 0 : i32
      %dma_wait3A_168 = arith.constant 0 : i32
      %dma_wait3A_169 = tpu.memref_slice %arg4[%mul3A_2, %dma_wait3A_167, %dma_wait3A_168] : memref<4096x200x128xf32, #tpu.memory_space<hbm>> -> memref<1x200x128xf32, #tpu.memory_space<hbm>>
      %dma_wait3A_170 = tpu.memref_squeeze %dma_wait3A_169 : memref<1x200x128xf32, #tpu.memory_space<hbm>> -> memref<200x128xf32, #tpu.memory_space<hbm>>
      %dma_wait3A_171 = arith.constant 0 : i32
      %dma_wait3A_172 = arith.constant 0 : i32
      %dma_wait3A_173 = tpu.memref_slice %arg4[%mul3A_2, %dma_wait3A_171, %dma_wait3A_172] : memref<4096x200x128xf32, #tpu.memory_space<hbm>> -> memref<1x200x128xf32, #tpu.memory_space<hbm>>
      %dma_wait3A_174 = tpu.memref_squeeze %dma_wait3A_173 : memref<1x200x128xf32, #tpu.memory_space<hbm>> -> memref<200x128xf32, #tpu.memory_space<hbm>>
      tpu.wait_dma2 semaphore(%arg10 : memref<!tpu.dma_semaphore, #tpu.memory_space<semaphore_mem>>) src(%arg7 : memref<200x128xf32, #tpu.memory_space<vmem>>) dst(%dma_wait3A_174 : memref<200x128xf32, #tpu.memory_space<hbm>>)
      %while3A_175 = arith.constant 0 : i32
      scf.yield %while3A_175 : i32
    }
    return
  }
}

</mosaic_0001>

<sc_bundles>
// kernel: kernel.3.cloned.1.call-start
scs
__scs_entry_jumppad:
0x0: {  	(pc) =	sbr.rel $0x88, $3  }
0x1: {  	(tag) =	ssettag $0x0;
	lr =	simm.s32 $0x1  }
0x2: {  	[smem:$0x3F9F] =	sst lr;
	_ =	strace $0xD0000000  }
0x3: {  	_ = 	snop  }
0x4: {  	_ = 	snop  }
0x5: {  	_ = 	snop  }
0x6: {  	_ = 	snop  }
0x7: {  	_ = 	snop  }
__scs_overlays_trampoline_lowered:
0x8: {  	[smem:$0x3FAE] =	sst s0  }
0x9: {  	[smem:$0x3FAF] =	sst s1  }
0xa: {  	[smem:$0x3FB0] =	sst s2  }
0xb: {  	[smem:$0x3FB1] =	sst s3  }
0xc: {  	[smem:$0x3FB2] =	sst s4  }
0xd: {  	[smem:$0x3FB3] =	sst s5  }
0xe: {  	[smem:$0x3FB4] =	sst s6  }
0xf: {  	[smem:$0x3FB5] =	sst s7  }
0x10: {  	[smem:$0x3FB6] =	sst s8  }
0x11: {  	[smem:$0x3FB7] =	sst s9;
	s0 =	simm.s32 @!p0 $0x0  }
0x12: {  	s1 =	sld [smem:$0x3F9D];
	s0 =	simm.s32 @p0 $0x1  }
0x13: {  	[smem:$0x3FB8] =	sst s0;
	s0 =	simm.s32 @!p1 $0x0  }
0x14: {  	s2 =	sld [smem:$0x3F9C];
	s0 =	simm.s32 @p1 $0x1  }
0x15: {  	[smem:$0x3FB9] =	sst s0;
	s0 =	simm.s32 @!p2 $0x0  }
0x16: {  	s3 =	sld [smem:$0x3FDB];
	s0 =	simm.s32 @p2 $0x1  }
0x17: {  	s4 =	simm.s32 $0x1BF5;
	[smem:$0x3FBB] =	sst s0  }
0x18: {  	s0 =	sld [smem:$0x3F9E];
	_ =	swait.ge [sflag:s4], $0x0  }
0x19: {  	s7 =	sld [smem:$0x3F9F]  }
0x1a: {  	s8 =	sadd.s32 $0xFFFFE003, lr  }
0x1b: {  	s9 =	sadd.s32 $0xFFFFFEF7, lr;
	s5 =	simm.s32 $0xFFFFFFFF;
	p2 =	slt.u32 s8, $0xFFFFF086  }
0x1c: {  	p1 =	slt.u32 s9, $0xF7A;
	s5 =	simm.s32 @!p2 $0x0  }
0x1d: {  	s5 =	simm.s32 @p1 $0x1;
	p0 =	seq.s32 s7, s2  }
0x1e: {  	s7 =	smul.u32 @!p0 $0xF7A, s2;
	p2 =	seq.s32 @!p0 s5, $0x0  }
0x1f: {  	s9 =	smul.u32 $0xF7A, s1;
	s8 =	simm.s32 @!p0 $0x1BF5;
	p2 =	por !p2, p0  }
0x20: {  	[sflag:s8] =	ssyncset.s32 @!p0 $0xFFFFF086;
	s6 =	sadd.s32 @!p0 s3, s7;
	s7 =	simm.s32 @!p0 $0x108  }
0x21: {  	s3 =	sadd.s32 s3, s9;
	s6 =	sadd.s32 @!p0 $0x88, s6;
	s7 =	simm.s32 @p2 $0x1082  }
0x22: {  	[simem:s7], [sflag:s8] =	dma.local @!p0 [hbm:s6], $0xF7A  }
0x23: {  	s9 =	sor.u32 $0xD0000000, s2;
	s6 =	simm.s32 $0x108;
	_ =	swait.ge @!p0 [sflag:s8], $0x0  }
0x24: {  	s3 =	sadd.s32 $0x88, s3;
	s6 =	simm.s32 @!p1 $0x1082;
	[sflag:s4] =	ssyncset.s32 $0xFFFFF086  }
0x25: {  	[simem:s6], [sflag:s4] =	dma.local [hbm:s3], $0xF7A  }
0x26: {  	[smem:$0x3F9F] =	sst s1;
	(tag) =	ssettag s2;
	_ =	strace s9  }
0x27: {  	s1 =	sld [smem:$0x3FAF]  }
0x28: {  	s2 =	sld [smem:$0x3FB0]  }
0x29: {  	s4 =	sld [smem:$0x3FB2]  }
0x2a: {  	p0 =	seq.s32 s5, $0x0;
	s5 =	sld [smem:$0x3FB3]  }
0x2b: {  	s6 =	sld [smem:$0x3FB4]  }
0x2c: {  	s7 =	sld [smem:$0x3FB5]  }
0x2d: {  	s3 =	simm.s32 $0x108;
	s8 =	sld [smem:$0x3FB6]  }
0x2e: {  	s3 =	simm.s32 @!p0 $0x1082;
	s9 =	sld [smem:$0x3FB7]  }
0x2f: {  	lr =	sadd.s32 s0, s3;
	s0 =	sld [smem:$0x3FAE]  }
0x30: {  	s3 =	sld [smem:$0x3FB1]  }
0x31: {  	[smem:$0x3FBA] =	sst s10  }
0x32: {  	s10 =	sld [smem:$0x3FB8];
	_ =	sdelay $0x3  }
0x33: {  	p0 =	seq.s32 s10, $0x1;
	s10 =	sld [smem:$0x3FBA];
	_ =	sdelay $0x3  }
0x34: {  	[smem:$0x3FBA] =	sst s10  }
0x35: {  	s10 =	sld [smem:$0x3FB9];
	_ =	sdelay $0x3  }
0x36: {  	p1 =	seq.s32 s10, $0x1;
	s10 =	sld [smem:$0x3FBA];
	_ =	sdelay $0x3  }
0x37: {  	[smem:$0x3FBA] =	sst s10  }
0x38: {  	s10 =	sld [smem:$0x3FBB]  }
0x39: {  	_ = 	snop;
	(pc) =	sbr.ind lr, $3  }
0x3a: {  	_ = 	snop  }
0x3b: {  	_ = 	snop  }
0x3c: {  	p2 =	seq.s32 s10, $0x1;
	s10 =	sld [smem:$0x3FBA]  }
0x3d: {  	_ =	shalt  }
0x3e: {  	_ =	shalt  }
0x3f: {  	_ =	shalt  }
0x40: {  	_ =	shalt  }
0x41: {  	_ =	shalt  }
0x42: {  	_ =	shalt  }
0x43: {  	_ =	shalt  }
0x44: {  	_ =	shalt  }
0x45: {  	_ =	shalt  }
0x46: {  	_ =	shalt  }
0x47: {  	_ =	shalt  }
0x48: {  	_ =	shalt  }
0x49: {  	_ =	shalt  }
0x4a: {  	_ =	shalt  }
0x4b: {  	_ =	shalt  }
0x4c: {  	_ =	shalt  }
0x4d: {  	_ =	shalt  }
0x4e: {  	_ =	shalt  }
0x4f: {  	_ =	shalt  }
0x50: {  	_ =	shalt  }
0x51: {  	_ =	shalt  }
0x52: {  	_ =	shalt  }
0x53: {  	_ =	shalt  }
0x54: {  	_ =	shalt  }
0x55: {  	_ =	shalt  }
0x56: {  	_ =	shalt  }
0x57: {  	_ =	shalt  }
0x58: {  	_ =	shalt  }
0x59: {  	_ =	shalt  }
0x5a: {  	_ =	shalt  }
0x5b: {  	_ =	shalt  }
0x5c: {  	_ =	shalt  }
0x5d: {  	_ =	shalt  }
0x5e: {  	_ =	shalt  }
0x5f: {  	_ =	shalt  }
0x60: {  	_ =	shalt  }
0x61: {  	_ =	shalt  }
0x62: {  	_ =	shalt  }
0x63: {  	_ =	shalt  }
0x64: {  	_ =	shalt  }
0x65: {  	_ =	shalt  }
0x66: {  	_ =	shalt  }
0x67: {  	_ =	shalt  }
0x68: {  	_ =	shalt  }
0x69: {  	_ =	shalt  }
0x6a: {  	_ =	shalt  }
0x6b: {  	_ =	shalt  }
0x6c: {  	_ =	shalt  }
0x6d: {  	_ =	shalt  }
0x6e: {  	_ =	shalt  }
0x6f: {  	_ =	shalt  }
0x70: {  	_ =	shalt  }
0x71: {  	_ =	shalt  }
0x72: {  	_ =	shalt  }
0x73: {  	_ =	shalt  }
0x74: {  	_ =	shalt  }
0x75: {  	_ =	shalt  }
0x76: {  	_ =	shalt  }
0x77: {  	_ =	shalt  }
0x78: {  	_ =	shalt  }
0x79: {  	_ =	shalt  }
0x7a: {  	_ =	shalt  }
0x7b: {  	_ =	shalt  }
0x7c: {  	_ =	shalt  }
0x7d: {  	_ =	shalt  }
0x7e: {  	_ =	shalt  }
0x7f: {  	_ =	shalt  }
0x80: {  	_ =	shalt  }
0x81: {  	_ =	shalt  }
0x82: {  	_ =	shalt  }
0x83: {  	_ =	shalt  }
0x84: {  	_ =	shalt  }
0x85: {  	_ =	shalt  }
0x86: {  	_ =	shalt  }
0x87: {  	_ =	shalt  }
.Lfunc_end0:
.L_simem_size_0:
called_computation_lowered:
.L_overlay_start_0:
0x88: {  	s2 =	sld [smem:$0x3FD9]  }
0x89: {  	s3 =	sld [smem:$0x3FFE];
	_ =	sdelay $0x1  }
0x8a: {  	s1 =	srdreg.scid  }
0x8b: {  	s0 =	sand.u32 $0x1, s1  }
0x8c: {  	s17 =	sshll.u32 s0, $0xA;
	s2 =	sadd.s32 s3, s2  }
0x8d: {  	s2 =	sadd.s32 s2, s17  }
0x8e: {  	[smem:$0x3FC6] =	sst s2  }
0x8f: {  	_ = 	snop  }
0x90: {  	s2 =	sld [smem:$0x3FC8]  }
0x91: {  	s18 =	sld [smem:$0x3FD0];
	(tm) =	ssettm $0x1  }
0x92: {  	s4 =	sld [smem:$0x3FFB];
	_ =	sdelay $0x3  }
0x93: {  	_ =	strace s4  }
0x94: {  	s4 =	sld [smem:$0x3FFC];
	_ =	sdelay $0x3  }
0x95: {  	_ =	strace s4  }
0x96: {  	s4 =	sld [smem:$0x3FFD];
	_ =	sdelay $0x3  }
0x97: {  	_ =	strace s4  }
0x98: {  	_ =	strace $0x8FFFFFFF  }
0x99: {  	s19 =	sld [smem:$0x3FDB];
	_ =	sdelay $0x1  }
0x9a: {  	s5 =	simm.s32 $_scs_section_size  }
0x9b: {  	s6 =	simm.s32 $_size__tile_overlayer_lowered;
	s7 =	simm.s32 $_tile_overlayer_lowered  }
0x9c: {  	s22 =	simm.s32 $0x1BFF;
	s21 =	sshll.u32 s7, $0x1;
	s4 =	sadd.s32 s5, s19  }
0x9d: {  	s8 =	simm.s32 $0x0;
	s20 =	sshll.u32 s6, $0x1;
	s6 =	sadd.s32 s21, s4  }
0x9e: {  	[timem:s8], [sflag:s22] =	dma.local [hbm:s6], s20  }
0x9f: {  	_ =	swait.ge [sflag:s22], s20  }
0xa0: {  	s5 =	ssub.s32 $0x0, s20;
	[sflag:s22] =	ssyncset.done $0x0  }
0xa1: {  	[sflag:s22] =	ssyncadd.s32 s5;
	_ =	sdelay $0x1  }
0xa2: {  	s23 =	simm.s32 $0x1B8B  }
0xa3: {  	_ =	swait.ge [sflag:s23], $0x1  }
0xa4: {  	[sflag:s23] =	ssyncset.done $0x0  }
0xa5: {  	s25 =	simm.s32 $0x1B8E;
	s24 =	sld [smem:$0x3FFE];
	[sflag:s23] =	ssyncadd.s32 $0xFFFFFFFF  }
0xa6: {  	s26 =	simm.s32 $execute0_lowered;
	[smem:$0x3FD2] =	sst s25  }
0xa7: {  	s6 =	sshll.u32 s26, $0x1;
	_ =	strace $0x80000046;
	[dreg:$0x1] =	wrdreg $0xFFFFFFFF  }
0xa8: {  	s28 =	simm.s32 $_size_execute0_lowered;
	s4 =	sadd.s32 s4, s6;
	[dreg:$0x0] =	wrdreg $0x0  }
0xa9: {  	s6 =	sshll.u32 s28, $0x1;
	[dreg:$0x2] =	wrdreg s4  }
0xaa: {  	[dreg:$0x3] =	wrdreg s6  }
0xab: {  	[dreg:$0x4] =	wrdreg $0xC0  }
0xac: {  	_ =	task [dreg:s8], $0x5FFFF  }
0xad: {  	[dreg:$0x1] =	wrdreg $0xFFFFFFFF  }
0xae: {  	[dreg:$0x0] =	wrdreg $0x60  }
0xaf: {  	[dreg:$0x2] =	wrdreg s24  }
0xb0: {  	[dreg:$0x3] =	wrdreg s2  }
0xb1: {  	[dreg:$0x4] =	wrdreg s18  }
0xb2: {  	[dreg:$0x5] =	wrdreg $0x0  }
0xb3: {  	[dreg:$0x6] =	wrdreg $0x9  }
0xb4: {  	_ =	task.clear_ibuf [dreg:s8], $0x7FFFF;
	_ =	strace $0x90000046  }
0xb5: {  	s29 =	simm.s32 $0x9;
	_ =	strace $0x80000048  }
0xb6: {  	_ =	swait.ge [sflag:s29], $0x1  }
0xb7: {  	[sflag:s29] =	ssyncadd.s32 $0xFFFFFFFF  }
0xb8: {  	_ =	strace $0x90000048  }
0xb9: {  	_ =	sfence  }
0xba: {  	s30 =	sld [smem:$0x0];
	_ =	sdelay $0x2  }
0xbb: {  	s31 =	sshll.u32 s1, $0xD;
	s1 =	sshrl.u32 s1, $0x2  }
0xbc: {  	s3 =	sand.u32 $0x4000, s31;
	s1 =	sadd.s32 s1, s30  }
0xbd: {  	s0 =	sor.u32 s3, s0;
	s1 =	sshll.u32 s1, $0x11  }
0xbe: {  	s0 =	sor.u32 s1, s0  }
0xbf: {  	s0 =	sadd.s32 $0x8F2B, s0  }
0xc0: {  	[sflag:s0] =	ssyncadd.remote.s32 $0x1  }
0xc1: {  	_ =	sfence.sel $0xFFFF  }
0xc2: {  	[dreg:$0x0] =	wrdreg $0xFFFFFFFF;
	(pc) =	sbr.abs _section_cstart, $3  }
0xc3: {  	[dreg:$0x1] =	wrdreg $0xFFFFFFFF  }
0xc4: {  	_ =	task.clear_ibuf [dreg:s8], $0x2FFFF;
	_ =	strace $0x9FFFFFFF  }
0xc5: {  	(tm) =	ssettm $0x7FFFFFFF  }
tec
execute0_lowered:
.L_overlay_start_1:
0x0: {  	(tag) =	ssettag $0x1  }
0x1: {  	s0 =	rddreg [dreg:$0x0]  }
0x2: {  	s2 =	rddreg [dreg:$0x2]  }
0x3: {  	s3 =	rddreg [dreg:$0x3]  }
0x4: {  	s1 =	srdreg.scid;
	s4 =	simm.s32 $0x0;
	s9 =	stileid.u32  }
0x5: {  	s11 =	simm.s32 $0x4;
	s12 =	simm.s32 $0x80;
	s13 =	simm.s32 $0xEC00  }
0x6: {  	s14 =	simm.s32 $0x8800;
	s15 =	simm.s32 $0x48;
	s16 =	simm.s32 $0xEC80  }
0x7: {  	s18 =	simm.s32 $0x2;
	s19 =	simm.s32 $0xED00;
	s20 =	simm.s32 $0x12D00  }
0x8: {  	s21 =	simm.s32 $0x1;
	s22 =	simm.s32 $0x3;
	s23 =	simm.s32 $0x0  }
0x9: {  	v13 =	vlaneseq.u32;
	s1 =	sand.u32 $0x1, s1;
	[smem:$0x7FF] =	sst s4;
	s5 =	sshll.u32 s9, $0x8  }
0xa: {  	v14 =	vimm.s32 $0x0;
	s8 =	smul.u32 $0xC8000, s9;
	p0 =	sne.s32 s9, $0x0;
	v0 =	vadd.s32 $0x1, v13;
	s6 =	sshll.u32 s1, $0x7  }
.Ltmp0:
0xb: {  	v1 =	vadd.s32 $0x11, v13;
	v2 =	vadd.s32 $0x21, v13;
	v3 =	vadd.s32 $0x31, v13;
	_ =	strace $0x80000047;
	s5 =	sor.u32 s6, s5;
	(pc) =	sbr.rel .LBB2_1-.Ltmp0, $4  }
0xc: {  	v4 =	vadd.s32 $0x41, v13;
	v5 =	vadd.s32 $0x51, v13;
	v7 =	vshrl.u32 v13, $0x3;
	s7 =	ssub.s32 $0x2, s1;
	s1 =	smul.u32 $0x64000, s1;
	s6 =	sshll.u32 s5, $0x5  }
0xd: {  	v6 =	vadd.s32 $0x61, v13;
	v8 =	vadd.s32 $0x71, v13;
	s9 =	sshrl.u32 @!p0 s3, $0x3;
	v15 =	vmul.u32 $0xFFFFFFFF, v7;
	s30 =	sshrl.u32 s7, $0x1;
	s0 =	sadd.s32 s6, s0  }
0xe: {  	v9 =	vadd.s32 $0x81, v13;
	v10 =	vadd.s32 $0x91, v13;
	v11 =	vadd.s32 $0xA1, v13;
	s31 =	sadd.s32 s8, s2;
	s7 =	ssub.s32 s7, s30;
	s0 =	sadd.s32 $0x400, s0  }
0xf: {  	v12 =	vadd.s32 $0xB1, v13;
	v13 =	vadd.s32 $0xC1, v13;
	s8 =	sadd.s32 s1, s31;
	v15 =	vadd.s32 $0x1, v15;
	s7 =	smax.u32 s7, $0x1;
	[dreg:$0x5] =	wrdreg s0  }
.LBB2_13:
0x10: {  	[sflag:s21] =	ssyncadd.s32 $0xFFFF9C00  }
.LBB2_14:
0x11: {  	s23 =	sadd.s32 $0x1, s23  }
0x12: {  	p1 =	sne.s32 s23, s7  }
.Ltmp1:
0x13: {  	_ = 	snop;
	(pc) =	sbr.rel @!p1 .LBB2_15-.Ltmp1, $1  }
0x14: {  	_ =	sdelay $0x3  }
.LBB2_1:
0x15: {  	s0 =	simm.s32 @!p0 $0x1C04;
	s1 =	rddreg [dreg:$0x1]  }
0x16: {  	[spmem:s9], [sflag:s0] =	dma.local @!p0 [hbm:s1], $0x1000  }
0x17: {  	s0 =	simm.s32 @!p0 $0x4  }
0x18: {  	_ =	swait.ge @!p0 [sflag:s0], $0x1000  }
0x19: {  	[sflag:s0] =	ssyncset.done @!p0 $0x0  }
0x1a: {  	s26 =	simm.s32 $0x800;
	s25 =	rddreg [dreg:$0x5];
	[sflag:s0] =	ssyncadd.s32 @!p0 $0xFFFFF000  }
0x1b: {  	[tilespmem:s26], [sflag:$0x4] =	stream.linear.gather [hbm4b:s25+s4], $0x8000, $0x38;
	[tilespmem:$0x15100] =	vst v63  }
0x1c: {  	_ =	swait.ge [sflag:s11], $0x8000  }
0x1d: {  	[sflag:s11] =	ssyncset.done $0x0  }
0x1e: {  	[sflag:s11] =	ssyncadd.s32 $0xFFFF8000  }
0x1f: {  	[bflag:$0x0] =	sbarrier.arrive $0xFFFF  }
0x20: {  	[tilespmem:$0xEC00] =	vst v0  }
0x21: {  	[tilespmem:$0xEC10] =	vst v1  }
0x22: {  	[tilespmem:$0xEC20] =	vst v2  }
0x23: {  	[tilespmem:$0xEC30] =	vst v3  }
0x24: {  	[tilespmem:$0xEC40] =	vst v4  }
0x25: {  	[tilespmem:$0xEC50] =	vst v5  }
0x26: {  	[tilespmem:$0xEC60] =	vst v6  }
0x27: {  	[tilespmem:$0xEC70] =	vst v8  }
0x28: {  	[tilespmem:$0xEC80] =	vst v9  }
0x29: {  	[tilespmem:$0xEC90] =	vst v10  }
0x2a: {  	[tilespmem:$0xECA0] =	vst v11  }
0x2b: {  	[tilespmem:$0xECB0] =	vst v12  }
0x2c: {  	[tilespmem:$0xECC0] =	vst v13  }
0x2d: {  	[tilespmem:s14], [sflag:$0x2] =	stream.indirect.gather [spmem:s3], $0x80, s13, s12, $0xb8;
	[tilespmem:$0x15100] =	vst v63  }
0x2e: {  	s30 =	simm.s32 $0xC800  }
0x2f: {  	[tilespmem:s30], [sflag:$0x2] =	stream.indirect.gather [spmem:s3], $0x80, s16, s15, $0xb8;
	[tilespmem:$0x15100] =	vst v63  }
0x30: {  	_ =	swait.ge [sflag:s18], $0x4000  }
.Ltmp2:
0x31: {  	[sflag:s18] =	ssyncset.done $0x0;
	(pc) =	sbr.rel .LBB2_2-.Ltmp2, $4  }
0x32: {  	s24 =	simm.s32 $0x0;
	s31 =	simm.s32 $0x0;
	[sflag:s18] =	ssyncadd.s32 $0xFFFFC000  }
0x33: {  	s6 =	simm.s32 $0x0;
	s29 =	simm.s32 $0x0;
	_ =	swait.ge [sflag:s18], $0x2400  }
0x34: {  	s28 =	simm.s32 $0x0;
	s0 =	simm.s32 $0x0;
	[sflag:s18] =	ssyncset.done $0x0  }
0x35: {  	s25 =	simm.s32 $0x0;
	s26 =	smov.u32 s8;
	[sflag:s18] =	ssyncadd.s32 $0xFFFFDC00  }
.LBB2_4:
0x36: {  	p2 =	sne.s32 s6, $0x1  }
0x37: {  	s0 =	simm.s32 @!p2 $0x3  }
0x38: {  	_ =	swait.ge @!p2 [sflag:s0], $0x6400  }
0x39: {  	[sflag:s0] =	ssyncset.done @!p2 $0x0  }
0x3a: {  	[sflag:s0] =	ssyncadd.s32 @!p2 $0xFFFF9C00  }
0x3b: {  	v16 =	vld [tilespmem:s10+$0x800];
	_ =	sdelay $0x4  }
0x3c: {  	vm0 =	vne.s32 v16, $0x0  }
0x3d: {  	v16 =	vsel vm0, $0x1, v14  }
0x3e: {  	(xrf0) =	vadd.scan.msk.s32 $0xffff, v16;
	_ =	sdelay $0x5  }
0x3f: {  	v16, _, _ =	vpop (xrf0)  }
0x40: {  	v17 =	vnsel vm0, $0x0, v16  }
0x41: {  	s0 =	sadd.s32 $0x800, s10;
	[tilespmem:$0xEC00] =	vst v17  }
0x42: {  	v17 =	vld [tilespmem:s0+$0x10];
	_ =	sdelay $0x4  }
0x43: {  	vm4 =	vne.s32 v17, $0x0  }
0x44: {  	v17 =	vsel vm4, $0x1, v14  }
0x45: {  	(xrf0) =	vadd.scan.msk.s32 $0xffff, v17;
	_ =	sdelay $0x4  }
0x46: {  	v17 =	vbroadcast v16, $0xF  }
0x47: {  	(v2sf) =	vpush v16, $0xF;
	v16, _, _ =	vpop (xrf0)  }
0x48: {  	v17 =	vadd.s32 v17, v16;
	(v2sf) =	vpush v16, $0xF  }
0x49: {  	v16 =	vnsel vm4, $0x0, v17  }
0x4a: {  	[tilespmem:$0xEC10] =	vst v16  }
0x4b: {  	v16 =	vld [tilespmem:s0+$0x20];
	_ =	sdelay $0x4  }
0x4c: {  	vm5 =	vne.s32 v16, $0x0  }
0x4d: {  	v16 =	vsel vm5, $0x1, v14  }
0x4e: {  	(xrf0) =	vadd.scan.msk.s32 $0xffff, v16;
	_ =	sdelay $0x3  }
0x4f: {  	s1 =	spop (v2sf)  }
0x50: {  	s17 =	spop (v2sf)  }
0x51: {  	s1 =	sadd.s32 s1, s17;
	v16, _, _ =	vpop (xrf0)  }
0x52: {  	v17 =	vadd.s32 s1, v16;
	(v2sf) =	vpush v16, $0xF  }
0x53: {  	v16 =	vnsel vm5, $0x0, v17  }
0x54: {  	[tilespmem:$0xEC20] =	vst v16  }
0x55: {  	v16 =	vld [tilespmem:s0+$0x30];
	_ =	sdelay $0x4  }
0x56: {  	vm6 =	vne.s32 v16, $0x0  }
0x57: {  	v16 =	vsel vm6, $0x1, v14  }
0x58: {  	(xrf0) =	vadd.scan.msk.s32 $0xffff, v16;
	_ =	sdelay $0x4  }
0x59: {  	s10 =	spop (v2sf)  }
0x5a: {  	s1 =	sadd.s32 s1, s10;
	v16, _, _ =	vpop (xrf0)  }
0x5b: {  	v17 =	vadd.s32 s1, v16;
	(v2sf) =	vpush v16, $0xF  }
0x5c: {  	v16 =	vnsel vm6, $0x0, v17  }
0x5d: {  	[tilespmem:$0xEC30] =	vst v16  }
0x5e: {  	v16 =	vld [tilespmem:s0+$0x40];
	_ =	sdelay $0x4  }
0x5f: {  	vm7 =	vne.s32 v16, $0x0  }
0x60: {  	v16 =	vsel vm7, $0x1, v14  }
0x61: {  	(xrf0) =	vadd.scan.msk.s32 $0xffff, v16;
	_ =	sdelay $0x4  }
0x62: {  	s17 =	spop (v2sf)  }
0x63: {  	s1 =	sadd.s32 s1, s17;
	v16, _, _ =	vpop (xrf0)  }
0x64: {  	v17 =	vadd.s32 s1, v16;
	(v2sf) =	vpush v16, $0xF  }
0x65: {  	v16 =	vnsel vm7, $0x0, v17  }
0x66: {  	[tilespmem:$0xEC40] =	vst v16  }
0x67: {  	v16 =	vld [tilespmem:s0+$0x50];
	_ =	sdelay $0x4  }
0x68: {  	vm8 =	vne.s32 v16, $0x0  }
0x69: {  	v16 =	vsel vm8, $0x1, v14  }
0x6a: {  	(xrf0) =	vadd.scan.msk.s32 $0xffff, v16;
	_ =	sdelay $0x4  }
0x6b: {  	s10 =	spop (v2sf)  }
0x6c: {  	s1 =	sadd.s32 s1, s10;
	v16, _, _ =	vpop (xrf0)  }
0x6d: {  	v17 =	vadd.s32 s1, v16;
	(v2sf) =	vpush v16, $0xF  }
0x6e: {  	v16 =	vnsel vm8, $0x0, v17  }
0x6f: {  	[tilespmem:$0xEC50] =	vst v16  }
0x70: {  	v16 =	vld [tilespmem:s0+$0x60];
	_ =	sdelay $0x4  }
0x71: {  	vm9 =	vne.s32 v16, $0x0  }
0x72: {  	v16 =	vsel vm9, $0x1, v14  }
0x73: {  	(xrf0) =	vadd.scan.msk.s32 $0xffff, v16;
	_ =	sdelay $0x4  }
0x74: {  	s17 =	spop (v2sf)  }
0x75: {  	s1 =	sadd.s32 s1, s17;
	v16, _, _ =	vpop (xrf0)  }
0x76: {  	v17 =	vadd.s32 s1, v16;
	(v2sf) =	vpush v16, $0xF  }
0x77: {  	v16 =	vnsel vm9, $0x0, v17  }
0x78: {  	[tilespmem:$0xEC60] =	vst v16  }
0x79: {  	v16 =	vld [tilespmem:s0+$0x70];
	_ =	sdelay $0x4  }
0x7a: {  	vm10 =	vne.s32 v16, $0x0  }
0x7b: {  	v16 =	vsel vm10, $0x1, v14  }
0x7c: {  	(xrf0) =	vadd.scan.msk.s32 $0xffff, v16;
	_ =	sdelay $0x4  }
0x7d: {  	s10 =	spop (v2sf)  }
0x7e: {  	s1 =	sadd.s32 s1, s10;
	v16, _, _ =	vpop (xrf0)  }
0x7f: {  	v17 =	vadd.s32 s1, v16;
	(v2sf) =	vpush v16, $0xF  }
0x80: {  	v16 =	vnsel vm10, $0x0, v17  }
0x81: {  	[tilespmem:$0xEC70] =	vst v16  }
0x82: {  	v16 =	vld [tilespmem:s0+$0x400];
	_ =	sdelay $0x4  }
0x83: {  	vm11 =	vne.s32 v16, $0x0  }
0x84: {  	v16 =	vsel vm11, $0x1, v14  }
0x85: {  	(xrf0) =	vadd.scan.msk.s32 $0xffff, v16;
	_ =	sdelay $0x4  }
0x86: {  	s17 =	spop (v2sf)  }
0x87: {  	s1 =	sadd.s32 s1, s17;
	v16, _, _ =	vpop (xrf0)  }
0x88: {  	v17 =	vadd.s32 s1, v16;
	(v2sf) =	vpush v16, $0xF  }
0x89: {  	v16 =	vnsel vm11, $0x0, v17  }
0x8a: {  	[tilespmem:$0xEC80] =	vst v16  }
0x8b: {  	v16 =	vld [tilespmem:s0+$0x410];
	_ =	sdelay $0x4  }
0x8c: {  	vm12 =	vne.s32 v16, $0x0  }
0x8d: {  	v16 =	vsel vm12, $0x1, v14  }
0x8e: {  	(xrf0) =	vadd.scan.msk.s32 $0xffff, v16;
	_ =	sdelay $0x4  }
0x8f: {  	s10 =	spop (v2sf)  }
0x90: {  	s1 =	sadd.s32 s1, s10;
	v16, _, _ =	vpop (xrf0)  }
0x91: {  	v17 =	vadd.s32 s1, v16;
	(v2sf) =	vpush v16, $0xF  }
0x92: {  	v16 =	vnsel vm12, $0x0, v17  }
0x93: {  	[tilespmem:$0xEC90] =	vst v16  }
0x94: {  	v16 =	vld [tilespmem:s0+$0x420];
	_ =	sdelay $0x4  }
0x95: {  	vm13 =	vne.s32 v16, $0x0  }
0x96: {  	v16 =	vsel vm13, $0x1, v14  }
0x97: {  	(xrf0) =	vadd.scan.msk.s32 $0xffff, v16;
	_ =	sdelay $0x4  }
0x98: {  	s17 =	spop (v2sf)  }
0x99: {  	s1 =	sadd.s32 s1, s17;
	v16, _, _ =	vpop (xrf0)  }
0x9a: {  	v17 =	vadd.s32 s1, v16  }
0x9b: {  	(v2sf) =	vpush v16, $0xF;
	v17 =	vnsel vm13, $0x0, v17  }
0x9c: {  	[tilespmem:$0xECA0] =	vst v17  }
0x9d: {  	v16 =	vld [tilespmem:s0+$0x430];
	_ =	sdelay $0x4  }
0x9e: {  	vm14 =	vne.s32 v16, $0x0  }
0x9f: {  	v16 =	vsel vm14, $0x1, v14  }
0xa0: {  	(xrf0) =	vadd.scan.msk.s32 $0xffff, v16;
	v16 =	vnsel vm14, $0x0, v15  }
0xa1: {  	(xrf0) =	vadd.scan.msk.s32 $0xffff, v16;
	_ =	sdelay $0x4  }
0xa2: {  	s10 =	spop (v2sf);
	v16, _, _ =	vpop (xrf0)  }
0xa3: {  	s1 =	sadd.s32 s1, s10;
	v17, _, _ =	vpop (xrf0)  }
0xa4: {  	v16 =	vadd.s32 s1, v16;
	(v2sf) =	vpush v17, $0xF  }
0xa5: {  	v16 =	vnsel vm14, $0x0, v16  }
0xa6: {  	[tilespmem:$0xECB0] =	vst v16  }
0xa7: {  	v16 =	vld [tilespmem:s0+$0x438];
	_ =	sdelay $0x4  }
0xa8: {  	vm15 =	vne.s32 v16, $0x0  }
0xa9: {  	v16 =	vsel vm15, $0x1, v14  }
0xaa: {  	(xrf0) =	vadd.scan.msk.s32 $0xffff, v16;
	_ =	sdelay $0x4  }
0xab: {  	s17 =	spop (v2sf)  }
0xac: {  	v16, _, _ =	vpop (xrf0);
	s0 =	sadd.s32 s1, s17  }
0xad: {  	v16 =	vadd.s32 s0, v16  }
0xae: {  	v16 =	vnsel vm15, $0x0, v16  }
0xaf: {  	[tilespmem:$0xECB8] =	vst v16  }
0xb0: {  	[tilespmem:s19], [sflag:$0x2] =	stream.indirect.gather [spmem:s3], $0x80, s13, s12, $0xb8;
	[tilespmem:$0x15100] =	vst v63  }
0xb1: {  	s6 =	simm.s32 $0x0;
	s31 =	smov.u32 s28  }
0xb2: {  	[tilespmem:s20], [sflag:$0x2] =	stream.indirect.gather [spmem:s3], $0x80, s16, s15, $0xb8;
	[tilespmem:$0x15100] =	vst v63  }
.LBB2_5:
0xb3: {  	s10 =	sadd.s32 $0x1, s29  }
0xb4: {  	p2 =	slt.s32 s10, $0xC  }
0xb5: {  	s0 =	simm.s32 $0x1;
	s28 =	sadd.s32 $0x1, s28;
	s10 =	simm.s32 @!p2 $0xC  }
0xb6: {  	s0 =	simm.s32 @!p1 $0x0;
	s10 =	smov.u32 @p1 s29;
	p1 =	sne.s32 s28, $0x80  }
.Ltmp3:
0xb7: {  	_ = 	snop;
	(pc) =	sbr.rel @!p1 .LBB2_6-.Ltmp3, $3  }
0xb8: {  	_ =	sdelay $0x1  }
0xb9: {  	s25 =	sadd.s32 $0x80, s25  }
0xba: {  	s24 =	sadd.s32 $0x100, s24;
	s26 =	sadd.s32 $0xC80, s26;
	s29 =	smov.u32 s10  }
.LBB2_2:
0xbb: {  	p1 =	seq.s32 s0, $0x0  }
0xbc: {  	s10 =	simm.s32 @!p1 $0x2  }
0xbd: {  	_ =	swait.ge @!p1 [sflag:s10], $0x4000  }
0xbe: {  	[sflag:s10] =	ssyncset.done @!p1 $0x0  }
0xbf: {  	s30 =	sadd.s32 @!p1 s5, s31;
	[sflag:s10] =	ssyncadd.s32 @!p1 $0xFFFFC000  }
0xc0: {  	s30 =	smul.u32 @!p1 $0xC80, s30;
	_ =	swait.ge @!p1 [sflag:s10], $0x2400  }
0xc1: {  	s17 =	simm.s32 @!p1 $0xED00;
	[sflag:s10] =	ssyncset.done @!p1 $0x0  }
0xc2: {  	[sflag:s10] =	ssyncadd.s32 @!p1 $0xFFFFDC00;
	s10 =	sadd.s32 @!p1 s2, s30;
	s30 =	simm.s32 @!p1 $0x0  }
0xc3: {  	[hbm4b:s10+s30] =	stream.linear.scatter @!p1 [tilespmem:s17], [sflag:$0x3], $0x6400, $0x38;
	[tilespmem:$0x15100] =	vst v63  }
0xc4: {  	s1 =	sand.u32 $0x380, s25;
	s17 =	sand.u32 $0x7800, s24  }
0xc5: {  	s10 =	sor.u32 s1, s17  }
0xc6: {  	v16 =	vld [tilespmem:s10+$0x800]  }
0xc7: {  	v17 =	vld [tilespmem:s10+$0x810]  }
0xc8: {  	v18 =	vld [tilespmem:s10+$0x820]  }
0xc9: {  	v19 =	vld [tilespmem:s10+$0x830]  }
0xca: {  	v20 =	vld [tilespmem:s10+$0x840]  }
0xcb: {  	vm0 =	vne.s32 v16, $0x0;
	v16 =	vld [tilespmem:s10+$0x850]  }
0xcc: {  	vm4 =	vne.s32 v17, $0x0;
	v17 =	vld [tilespmem:s10+$0x860];
	v21 =	vsel vm0, $0x1, v14  }
0xcd: {  	v50 =	vld [tilespmem:s10+$0x870];
	vm5 =	vne.s32 v18, $0x0;
	v49 =	vsel vm4, $0x1, v14;
	(xrf0) =	vadd.scan.msk.s32 $0xffff, v21  }
0xce: {  	v52 =	vld [tilespmem:s10+$0xC00];
	vm6 =	vne.s32 v19, $0x0;
	v51 =	vsel vm5, $0x1, v14;
	(xrf0) =	vadd.scan.msk.s32 $0xffff, v49  }
0xcf: {  	v54 =	vld [tilespmem:s10+$0xC10];
	vm7 =	vne.s32 v20, $0x0;
	v53 =	vsel vm6, $0x1, v14;
	(xrf0) =	vadd.scan.msk.s32 $0xffff, v51  }
0xd0: {  	v55 =	vsel vm7, $0x1, v14;
	(xrf0) =	vadd.scan.msk.s32 $0xffff, v53;
	vm8 =	vne.s32 v16, $0x0;
	v16 =	vld [tilespmem:s10+$0xC20]  }
0xd1: {  	vm9 =	vne.s32 v17, $0x0;
	v17 =	vld [tilespmem:s10+$0xC30];
	(xrf0) =	vadd.scan.msk.s32 $0xffff, v55;
	v56 =	vsel vm8, $0x1, v14  }
0xd2: {  	v58 =	vld [tilespmem:s10+$0xC38];
	vm10 =	vne.s32 v50, $0x0;
	v57 =	vsel vm9, $0x1, v14;
	(xrf0) =	vadd.scan.msk.s32 $0xffff, v56  }
0xd3: {  	vm11 =	vne.s32 v52, $0x0;
	v59 =	vsel vm10, $0x1, v14;
	v22, _, _ =	vpop (xrf0);
	(xrf0) =	vadd.scan.msk.s32 $0xffff, v57  }
0xd4: {  	vm12 =	vne.s32 v54, $0x0;
	v61 =	vsel vm11, $0x1, v14;
	(v2sf) =	vpush v22, $0xF;
	v60, _, _ =	vpop (xrf0);
	(xrf0) =	vadd.scan.msk.s32 $0xffff, v59  }
0xd5: {  	v20 =	vsel vm12, $0x1, v14;
	(v2sf) =	vpush v60, $0xF;
	v62, _, _ =	vpop (xrf0);
	(xrf0) =	vadd.scan.msk.s32 $0xffff, v61;
	vm13 =	vne.s32 v16, $0x0  }
0xd6: {  	vm14 =	vne.s32 v17, $0x0;
	(v2sf) =	vpush v62, $0xF;
	v16, _, _ =	vpop (xrf0);
	(xrf0) =	vadd.scan.msk.s32 $0xffff, v20;
	v63 =	vsel vm13, $0x1, v14  }
0xd7: {  	vm15 =	veq.s32 v58, $0x0;
	v17 =	vsel vm14, $0x1, v14;
	(v2sf) =	vpush v16, $0xF;
	v16, _, _ =	vpop (xrf0);
	(xrf0) =	vadd.scan.msk.s32 $0xffff, v63  }
0xd8: {  	(v2sf) =	vpush v16, $0xF;
	v16, _, _ =	vpop (xrf0);
	(xrf0) =	vadd.scan.msk.s32 $0xffff, v17;
	v17 =	vsel vm15, $0x0, v7;
	_ =	sdelay $0x1  }
0xd9: {  	(v2sf) =	vpush v16, $0xF;
	v16, _, _ =	vpop (xrf0);
	(xrf0) =	vadd.scan.msk.s32 $0xffff, v17  }
0xda: {  	(v2sf) =	vpush v16, $0xF;
	v17, _, _ =	vpop (xrf0)  }
0xdb: {  	v16, _, _ =	vpop (xrf0);
	(v2sf) =	vpush v17, $0xF  }
0xdc: {  	v17, _, _ =	vpop (xrf0);
	(v2sf) =	vpush v16, $0xF  }
0xdd: {  	v16, _, _ =	vpop (xrf0);
	(v2sf) =	vpush v17, $0xF  }
0xde: {  	v17, _, _ =	vpop (xrf0);
	(v2sf) =	vpush v16, $0xF  }
0xdf: {  	(v2sf) =	vpush v17, $0xF;
	v16, _, _ =	vpop (xrf0)  }
0xe0: {  	(v2sf) =	vpush v16, $0xF;
	_ =	sdelay $0x2  }
0xe1: {  	s1 =	spop (v2sf)  }
0xe2: {  	s30 =	spop (v2sf)  }
0xe3: {  	s17 =	sadd.s32 s1, s30;
	s30 =	spop (v2sf)  }
0xe4: {  	s17 =	sadd.s32 s30, s17;
	s30 =	spop (v2sf)  }
0xe5: {  	s17 =	sadd.s32 s30, s17;
	s30 =	spop (v2sf)  }
0xe6: {  	s17 =	sadd.s32 s30, s17;
	s30 =	spop (v2sf)  }
0xe7: {  	s17 =	sadd.s32 s30, s17;
	s30 =	spop (v2sf)  }
0xe8: {  	s17 =	sadd.s32 s30, s17;
	s30 =	spop (v2sf)  }
0xe9: {  	s17 =	sadd.s32 s30, s17;
	s30 =	spop (v2sf)  }
0xea: {  	s17 =	sadd.s32 s30, s17;
	s30 =	spop (v2sf)  }
0xeb: {  	s17 =	sadd.s32 s30, s17;
	s30 =	spop (v2sf)  }
0xec: {  	s17 =	sadd.s32 s30, s17;
	s30 =	spop (v2sf)  }
0xed: {  	s17 =	sadd.s32 s30, s17;
	s30 =	spop (v2sf)  }
0xee: {  	s30 =	sadd.s32 s30, s17  }
0xef: {  	p1 =	sne.s32 s30, $0xC8  }
.Ltmp4:
0xf0: {  	_ = 	snop;
	(pc) =	sbr.rel @p1 .LBB2_4-.Ltmp4, $3  }
0xf1: {  	_ =	sdelay $0x1  }
0xf2: {  	p2 =	sgt.s32 s6, s0;
	s1 =	smov.u32 s6;
	s6 =	smov.u32 s0  }
0xf3: {  	s6 =	smov.u32 @p2 s1  }
0xf4: {  	[hbm4b:s26+s4] =	stream.linear.scatter [tilespmem:s14], [sflag:$0x1], $0x6400, $0x38;
	[tilespmem:$0x15100] =	vst v63  }
.Ltmp5:
0xf5: {  	p2 =	slt.s32 s29, $0xC;
	(pc) =	sbr.rel .LBB2_5-.Ltmp5, $4  }
0xf6: {  	s0 =	simm.s32 @!p2 $0x1  }
0xf7: {  	_ =	swait.ge @!p2 [sflag:s0], $0x6400  }
0xf8: {  	[sflag:s0] =	ssyncset.done @!p2 $0x0  }
0xf9: {  	[sflag:s0] =	ssyncadd.s32 @!p2 $0xFFFF9C00  }
.LBB2_6:
0xfa: {  	p1 =	seq.s32 s30, $0xC8  }
.Ltmp6:
0xfb: {  	_ = 	snop;
	(pc) =	sbr.rel @p1 .LBB2_8-.Ltmp6, $1  }
0xfc: {  	_ =	sdelay $0x3  }
0xfd: {  	_ =	swait.ge [sflag:s18], $0x4000  }
0xfe: {  	[sflag:s18] =	ssyncset.done $0x0  }
.Ltmp7:
0xff: {  	s0 =	sadd.s32 s5, s31;
	[sflag:s18] =	ssyncadd.s32 $0xFFFFC000;
	(pc) =	sbr.rel .LBB2_9-.Ltmp7, $4  }
0x100: {  	s0 =	smul.u32 $0xC80, s0;
	_ =	swait.ge [sflag:s18], $0x2400  }
0x101: {  	[sflag:s18] =	ssyncset.done $0x0  }
0x102: {  	s0 =	sadd.s32 s2, s0;
	[sflag:s18] =	ssyncadd.s32 $0xFFFFDC00  }
0x103: {  	[hbm4b:s0+s4] =	stream.linear.scatter [tilespmem:s19], [sflag:$0x3], $0x6400, $0x38;
	[tilespmem:$0x15100] =	vst v63  }
.LBB2_8:
0x104: {  	p1 =	sne.s32 s6, $0x1  }
.Ltmp8:
0x105: {  	_ = 	snop;
	(pc) =	sbr.rel @p1 .LBB2_10-.Ltmp8, $1  }
0x106: {  	_ =	sdelay $0x3  }
.LBB2_9:
0x107: {  	_ =	swait.ge [sflag:s22], $0x6400  }
0x108: {  	[sflag:s22] =	ssyncset.done $0x0  }
0x109: {  	[sflag:s22] =	ssyncadd.s32 $0xFFFF9C00  }
.LBB2_10:
0x10a: {  	p1 =	slt.s32 s10, $0x1  }
.Ltmp9:
0x10b: {  	_ = 	snop;
	(pc) =	sbr.rel @p1 .LBB2_14-.Ltmp9, $1  }
0x10c: {  	_ =	sdelay $0x3  }
0x10d: {  	p1 =	sne.s32 s10, $0x1  }
.Ltmp10:
0x10e: {  	_ = 	snop;
	(pc) =	sbr.rel @!p1 .LBB2_13-.Ltmp10, $3  }
0x10f: {  	_ =	sdelay $0x1  }
0x110: {  	_ =	swait.ge [sflag:s21], $0x6400  }
0x111: {  	s0 =	sadd.s32 $0xFFFFFFFF, s10;
	[sflag:s21] =	ssyncset.done $0x0  }
.LBB2_12:
0x112: {  	p1 =	sne.s32 s0, $0x1;
	s0 =	sadd.s32 $0xFFFFFFFF, s0;
	[sflag:s21] =	ssyncadd.s32 $0xFFFF9C00  }
.Ltmp11:
0x113: {  	(pc) =	sbr.rel @p1 .LBB2_12-.Ltmp11, $3  }
0x114: {  	_ =	sdelay $0x1  }
0x115: {  	_ =	swait.ge [sflag:s21], $0x6400  }
0x116: {  	[sflag:s21] =	ssyncset.done $0x0  }
.Ltmp12:
0x117: {  	_ = 	snop;
	(pc) =	sbr.rel .LBB2_13-.Ltmp12, $1  }
0x118: {  	_ =	sdelay $0x3  }
.LBB2_15:
0x119: {  	_ =	sfence.sel $0x180000  }
0x11a: {  	[bflag:$0x0] =	sbarrier.arrive $0xFFFF  }
0x11b: {  	_ =	strace $0x90000047  }
0x11c: {  	[bflag:$0x2] =	sbarrier.arrive $0xFFFF  }
0x11d: {  	s0 =	rddreg [dreg:$0x4]  }
0x11e: {  	s0 =	sadd.s32 @!p0 $0x100000, s0  }
0x11f: {  	[sflag:s0] =	ssyncadd.tile.s32 @!p0 $0x1;
	_ =	shalt  }
.Lfunc_end2:
_tile_overlayer_lowered:
.L_overlay_start_2:
0x120: {  	(tag) =	ssettag $0x2  }
0x121: {  	s0 =	rddreg [dreg:$0x0];
	s2 =	stileid.u32  }
0x122: {  	s1 =	rddreg [dreg:$0x1];
	p0 =	sne.s32 s2, $0x0  }
0x123: {  	s3 =	rddreg [dreg:$0x2];
	[bflag:$0x3] =	sbarrier.arrive $0xFFFF;
	s2 =	simm.s32 @!p0 $0x1C04  }
0x124: {  	[timem:s3], [sflag:s2] =	dma.local @!p0 [hbm:s0], s1  }
0x125: {  	s0 =	simm.s32 @!p0 $0x4  }
0x126: {  	_ =	swait.ge @!p0 [sflag:s0], s1  }
0x127: {  	s1 =	ssub.s32 @!p0 $0x0, s1;
	[sflag:s0] =	ssyncset.done @!p0 $0x0  }
0x128: {  	[sflag:s0] =	ssyncadd.s32 @!p0 s1  }
0x129: {  	[bflag:$0x3] =	sbarrier.arrive $0xFFFF  }
0x12a: {  	_ =	shalt  }

</sc_bundles>
